<compile_context>
chip_gen: v7x
topology: tpu7x:2x2x1
jax: 0.10.2.dev20260603
libtpu: 0.0.44.dev20260713+nightly
codegen_flags: <defaults>
</compile_context>

<pallas_src>
import functools

import jax
import jax.numpy as jnp
from jax import lax
from jax.experimental import pallas as pl
from jax.experimental.pallas import tpu as pltpu
from jax.experimental.pallas import tpu_sc as plsc

_CHUNK = 512
_NBUF = 2


@functools.lru_cache(maxsize=None)
def _make_gather(N, S, D):
    info = plsc.get_sparse_core_info()
    nc, ns = info.num_cores, info.num_subcores
    nw = nc * ns
    chunks_per_s = N // _CHUNK
    n_chunks = S * chunks_per_s
    c_per_w = n_chunks // nw
    assert c_per_w % _NBUF == 0
    mesh = plsc.VectorSubcoreMesh(core_axis_name="c", subcore_axis_name="s")

    scratch = []
    for _ in range(_NBUF):
        scratch += [
            pltpu.VMEM((_CHUNK,), jnp.int32),
            pltpu.VMEM((_CHUNK, D), jnp.float32),
            pltpu.SemaphoreType.DMA,
            pltpu.SemaphoreType.DMA,
        ]

    @functools.partial(
        pl.kernel,
        mesh=mesh,
        out_type=jax.ShapeDtypeStruct((S, N // 4, 4, D), jnp.float32),
        scratch_types=scratch,
        compiler_params=pltpu.CompilerParams(use_tc_tiling_on_sc=False),
    )
    def gather_kernel(idx_hbm, table_hbm, out_hbm, *bufs):
        rings = [tuple(bufs[4 * b : 4 * b + 4]) for b in range(_NBUF)]
        wid = lax.axis_index("s") * nc + lax.axis_index("c")
        c_base = wid * c_per_w

        def stage_in(c, b):
            idx_v, rows_v, gsem, _ = rings[b]
            pltpu.sync_copy(idx_hbm.at[pl.ds(c * _CHUNK, _CHUNK)], idx_v)
            pltpu.make_async_copy(table_hbm.at[idx_v], rows_v, gsem).start()

        def out_view(c):
            s = c // chunks_per_s
            local = c % chunks_per_s
            k0 = local // (chunks_per_s // 4)
            q0 = (local % (chunks_per_s // 4)) * _CHUNK
            return out_hbm.at[s, pl.ds(q0, _CHUNK), k0, :]

        for b in range(_NBUF):
            stage_in(c_base + b, b)

        def body(ii, carry):
            for bb in range(_NBUF):
                i = ii * _NBUF + bb
                c = c_base + i
                idx_v, rows_v, gsem, ssem = rings[bb]
                pltpu.make_async_copy(table_hbm.at[idx_v], rows_v, gsem).wait()
                pltpu.make_async_copy(rows_v, out_view(c), ssem).start()

                @pl.when(i + _NBUF < c_per_w)
                def _():
                    pltpu.sync_copy(
                        idx_hbm.at[pl.ds((c + _NBUF) * _CHUNK, _CHUNK)], idx_v
                    )
                    pltpu.make_async_copy(rows_v, out_view(c), ssem).wait()
                    pltpu.make_async_copy(
                        table_hbm.at[idx_v], rows_v, gsem
                    ).start()

            return carry

        lax.fori_loop(0, c_per_w // _NBUF, body, 0)

        for b in range(_NBUF):
            _, rows_v, _, ssem = rings[b]
            pltpu.make_async_copy(
                rows_v, out_hbm.at[0, pl.ds(0, _CHUNK), 0, :], ssem
            ).wait()

    return gather_kernel


@functools.lru_cache(maxsize=None)
def _make_wtranspose(V, D):
    cols = 16384
    grid = (V + cols - 1) // cols
    nq = cols // 4

    def body(x_ref, out_ref):
        x = x_ref[...]
        y = jnp.concatenate(
            [x[:, k * nq:(k + 1) * nq] for k in range(4)], axis=0
        )
        out_ref[...] = y.T

    return pl.pallas_call(
        body,
        grid=(grid,),
        in_specs=[pl.BlockSpec((D, cols), lambda c: (0, c))],
        out_specs=pl.BlockSpec((nq, 128), lambda c: (c, 0)),
        out_shape=jax.ShapeDtypeStruct((grid * nq, 128), jnp.float32),
    )


@functools.lru_cache(maxsize=None)
def _make_otranspose(N, S, D):
    rows_in = N * D // 128

    nq = N // 4

    def body(x_ref, out_ref):
        xt = x_ref[...].T
        for k in range(4):
            out_ref[0, :, k * nq:(k + 1) * nq] = xt[32 * k:32 * k + 32, :]

    return pl.pallas_call(
        body,
        grid=(S,),
        in_specs=[pl.BlockSpec((rows_in, 128), lambda s: (s, 0))],
        out_specs=pl.BlockSpec((1, D, N), lambda s: (s, 0, 0)),
        out_shape=jax.ShapeDtypeStruct((S, D, N), jnp.float32),
    )


def kernel(indices, weight):
    n, s = indices.shape
    v, d = weight.shape
    flat_idx = indices.T.reshape(s * n)
    flat_idx = (
        (flat_idx >> 14 << 14) | ((flat_idx & 4095) << 2) | ((flat_idx >> 12) & 3)
    )
    w_r = _make_wtranspose(v, d)(weight.T)
    table = w_r.reshape(w_r.shape[0] * 128 // d, d)
    out = _make_gather(n, s, d)(flat_idx, table)
    o_t = _make_otranspose(n, s, d)(out.reshape(s * n * d // 128, 128))
    return o_t.transpose(2, 0, 1)

# --- scband reference (transcript-rebuilt; emitter-appended) ---
"""Pipeline reference for scband-embedding-12747462935054 (READ-ONLY COPY).

The authoritative reference and input builder live on the scoring server;
editing this copy changes nothing except your own understanding.
"""

import jax, jax.numpy as jnp
import numpy as np

NUM_EMBEDDINGS = 1000000
EMBEDDING_DIM = 32

def setup_inputs(seed: int = 0) -> dict:
    key = jax.random.key(seed)
    k_idx, k_w = jax.random.split(key)
    indices = jax.random.randint(k_idx, (16384, 50), 0, NUM_EMBEDDINGS, dtype=jnp.int64 if jax.config.jax_enable_x64 else jnp.int32)
    std = 2.0 / (EMBEDDING_DIM + NUM_EMBEDDINGS)
    weight = jax.random.normal(k_w, (NUM_EMBEDDINGS, EMBEDDING_DIM), dtype=jnp.float32) * std
    return {"indices": indices, "weight": weight}

def reference(indices, weight):
    # Faithful translation of: return self.weight[indices]
    return jnp.take(weight, indices, axis=0)

if __name__ == "__main__":
    import jax
    _d = setup_inputs()
    print(jax.jit(kernel)(*tuple(_d.values())))

</pallas_src>

<mosaic_0001>
#map = affine_map<(d0, d1) -> (0)>
#map1 = affine_map<(d0, d1) -> (0, 0)>
#map2 = affine_map<(d0, d1) -> (0, 0, 0, 0)>
module attributes {stable_mosaic.version = 14 : i64} {
  func.func @gather_kernel(%arg0: i32, %arg1: i32, %arg2: memref<819200xi32, #tpu.memory_space<hbm>>, %arg3: memref<1015808x32xf32, #tpu.memory_space<hbm>>, %arg4: memref<50x4096x4x32xf32, #tpu.memory_space<hbm>>, %arg5: memref<512xi32, #tpu.memory_space<vmem>>, %arg6: memref<512x32xf32, #tpu.memory_space<vmem>>, %arg7: memref<!tpu.dma_semaphore, #tpu.memory_space<semaphore_mem>>, %arg8: memref<!tpu.dma_semaphore, #tpu.memory_space<semaphore_mem>>, %arg9: memref<512xi32, #tpu.memory_space<vmem>>, %arg10: memref<512x32xf32, #tpu.memory_space<vmem>>, %arg11: memref<!tpu.dma_semaphore, #tpu.memory_space<semaphore_mem>>, %arg12: memref<!tpu.dma_semaphore, #tpu.memory_space<semaphore_mem>>) attributes {dimension_semantics = [#tpu.dimension_semantics<core_parallel>, #tpu.dimension_semantics<subcore_parallel>], iteration_bounds = array<i64: 2, 16>, scalar_prefetch = 0 : i64, scratch_operands = 8 : i64, tpu.core_type = #tpu.core_type<sc_vector_subcore>, window_params = [{transform_indices = #map}, {transform_indices = #map1}, {transform_indices = #map2}]} {
    %mul3A = arith.constant 2 : i32
    %mul3A_0 = arith.muli %arg1, %mul3A : i32
    %add3A = arith.addi %mul3A_0, %arg0 : i32
    %mul3A_1 = arith.constant 50 : i32
    %mul3A_2 = arith.muli %add3A, %mul3A_1 : i32
    %add3A_3 = arith.constant 0 : i32
    %add3A_4 = arith.addi %mul3A_2, %add3A_3 : i32
    %mul3A_5 = arith.constant 512 : i32
    %mul3A_6 = arith.muli %add3A_4, %mul3A_5 : i32
    "tpu.region"() ({
      %run_scoped3A = tpu.sem_alloc : memref<!tpu.dma_semaphore, #tpu.memory_space<semaphore_mem>>
      %dma_start3A_40 = tpu.memref_slice %arg2[%mul3A_6] : memref<819200xi32, #tpu.memory_space<hbm>> -> memref<512xi32, #tpu.memory_space<hbm>>
      %dma_start3A_41 = tpu.memref_slice %arg2[%mul3A_6] : memref<819200xi32, #tpu.memory_space<hbm>> -> memref<512xi32, #tpu.memory_space<hbm>>
      tpu.enqueue_dma source(%dma_start3A_41 : memref<512xi32, #tpu.memory_space<hbm>>) target(%arg5 : memref<512xi32, #tpu.memory_space<vmem>>) target_semaphore(%run_scoped3A : memref<!tpu.dma_semaphore, #tpu.memory_space<semaphore_mem>>)
      %dma_wait3A_42 = tpu.memref_slice %arg2[%mul3A_6] : memref<819200xi32, #tpu.memory_space<hbm>> -> memref<512xi32, #tpu.memory_space<hbm>>
      %dma_wait3A_43 = tpu.memref_slice %arg2[%mul3A_6] : memref<819200xi32, #tpu.memory_space<hbm>> -> memref<512xi32, #tpu.memory_space<hbm>>
      tpu.wait_dma2 semaphore(%run_scoped3A : memref<!tpu.dma_semaphore, #tpu.memory_space<semaphore_mem>>) src(%dma_wait3A_43 : memref<512xi32, #tpu.memory_space<hbm>>) dst(%arg5 : memref<512xi32, #tpu.memory_space<vmem>>)
      tpu.yield
    }) : () -> ()
    %dma_start3A = arith.constant 0 : i32
    %dma_start3A_7 = arith.constant 0 : i32
    %dma_start3A_8 = tpu.memref_slice %arg3[%dma_start3A, %dma_start3A_7] : memref<1015808x32xf32, #tpu.memory_space<hbm>> -> memref<1015808x32xf32, #tpu.memory_space<hbm>>
    tpu.enqueue_indirect_dma source(%dma_start3A_8 : memref<1015808x32xf32, #tpu.memory_space<hbm>>) target(%arg6 : memref<512x32xf32, #tpu.memory_space<vmem>>) offsets(%arg5 : memref<512xi32, #tpu.memory_space<vmem>>) semaphore(%arg7 : memref<!tpu.dma_semaphore, #tpu.memory_space<semaphore_mem>>)
    %add3A_9 = arith.constant 1 : i32
    %add3A_10 = arith.addi %mul3A_2, %add3A_9 : i32
    %mul3A_11 = arith.constant 512 : i32
    %mul3A_12 = arith.muli %add3A_10, %mul3A_11 : i32
    "tpu.region"() ({
      %run_scoped3A = tpu.sem_alloc : memref<!tpu.dma_semaphore, #tpu.memory_space<semaphore_mem>>
      %dma_start3A_40 = tpu.memref_slice %arg2[%mul3A_12] : memref<819200xi32, #tpu.memory_space<hbm>> -> memref<512xi32, #tpu.memory_space<hbm>>
      %dma_start3A_41 = tpu.memref_slice %arg2[%mul3A_12] : memref<819200xi32, #tpu.memory_space<hbm>> -> memref<512xi32, #tpu.memory_space<hbm>>
      tpu.enqueue_dma source(%dma_start3A_41 : memref<512xi32, #tpu.memory_space<hbm>>) target(%arg9 : memref<512xi32, #tpu.memory_space<vmem>>) target_semaphore(%run_scoped3A : memref<!tpu.dma_semaphore, #tpu.memory_space<semaphore_mem>>)
      %dma_wait3A_42 = tpu.memref_slice %arg2[%mul3A_12] : memref<819200xi32, #tpu.memory_space<hbm>> -> memref<512xi32, #tpu.memory_space<hbm>>
      %dma_wait3A_43 = tpu.memref_slice %arg2[%mul3A_12] : memref<819200xi32, #tpu.memory_space<hbm>> -> memref<512xi32, #tpu.memory_space<hbm>>
      tpu.wait_dma2 semaphore(%run_scoped3A : memref<!tpu.dma_semaphore, #tpu.memory_space<semaphore_mem>>) src(%dma_wait3A_43 : memref<512xi32, #tpu.memory_space<hbm>>) dst(%arg9 : memref<512xi32, #tpu.memory_space<vmem>>)
      tpu.yield
    }) : () -> ()
    %dma_start3A_13 = arith.constant 0 : i32
    %dma_start3A_14 = arith.constant 0 : i32
    %dma_start3A_15 = tpu.memref_slice %arg3[%dma_start3A_13, %dma_start3A_14] : memref<1015808x32xf32, #tpu.memory_space<hbm>> -> memref<1015808x32xf32, #tpu.memory_space<hbm>>
    tpu.enqueue_indirect_dma source(%dma_start3A_15 : memref<1015808x32xf32, #tpu.memory_space<hbm>>) target(%arg10 : memref<512x32xf32, #tpu.memory_space<vmem>>) offsets(%arg9 : memref<512xi32, #tpu.memory_space<vmem>>) semaphore(%arg11 : memref<!tpu.dma_semaphore, #tpu.memory_space<semaphore_mem>>)
    %scan3A = arith.constant 0 : i32
    %scan3A_16 = arith.constant 0 : i32
    %scan3A_17 = arith.constant 25 : i32
    %scan3A_18 = arith.addi %scan3A_16, %scan3A_17 : i32
    %scan3A_19 = arith.constant 1 : i32
    scf.for %scan3A_40 = %scan3A_16 to %scan3A_18 step %scan3A_19  : i32 {
      %mul3A_41 = arith.constant 2 : i32
      %mul3A_42 = arith.muli %scan3A_40, %mul3A_41 : i32
      %add3A_43 = arith.constant 0 : i32
      %add3A_44 = arith.addi %mul3A_42, %add3A_43 : i32
      %add3A_45 = arith.addi %mul3A_2, %add3A_44 : i32
      %dma_wait3A_46 = arith.constant 0 : i32
      %dma_wait3A_47 = arith.constant 0 : i32
      %dma_wait3A_48 = tpu.memref_slice %arg3[%dma_wait3A_46, %dma_wait3A_47] : memref<1015808x32xf32, #tpu.memory_space<hbm>> -> memref<1015808x32xf32, #tpu.memory_space<hbm>>
      tpu.wait_indirect_dma semaphore(%arg7 : memref<!tpu.dma_semaphore, #tpu.memory_space<semaphore_mem>>) src(%dma_wait3A_48 : memref<1015808x32xf32, #tpu.memory_space<hbm>>) dst(%arg6 : memref<512x32xf32, #tpu.memory_space<vmem>>)
      %jit3A = arith.constant 32 : i32
      %div3A = arith.divsi %add3A_45, %jit3A : i32
      %sign3A = arith.constant 0 : i32
      %sign3A_49 = arith.cmpi sgt, %add3A_45, %sign3A : i32
      %sign3A_50 = arith.extui %sign3A_49 : i1 to i32
      %sign3A_51 = arith.constant 0 : i32
      %sign3A_52 = arith.cmpi slt, %add3A_45, %sign3A_51 : i32
      %sign3A_53 = arith.extui %sign3A_52 : i1 to i32
      %sign3A_54 = arith.subi %sign3A_50, %sign3A_53 : i32
      %sign3A_55 = arith.constant 0 : i32
      %sign3A_56 = arith.cmpi sgt, %jit3A, %sign3A_55 : i32
      %sign3A_57 = arith.extui %sign3A_56 : i1 to i32
      %sign3A_58 = arith.constant 0 : i32
      %sign3A_59 = arith.cmpi slt, %jit3A, %sign3A_58 : i32
      %sign3A_60 = arith.extui %sign3A_59 : i1 to i32
      %sign3A_61 = arith.subi %sign3A_57, %sign3A_60 : i32
      %ne3A = arith.cmpi ne, %sign3A_54, %sign3A_61 : i32
      %rem3A = arith.remsi %add3A_45, %jit3A : i32
      %ne3A_62 = arith.constant 0 : i32
      %ne3A_63 = arith.cmpi ne, %rem3A, %ne3A_62 : i32
      %and3A = arith.andi %ne3A, %ne3A_63 : i1
      %sub3A = arith.constant 1 : i32
      %sub3A_64 = arith.subi %div3A, %sub3A : i32
      %select_n3A = arith.select %and3A, %sub3A_64, %div3A : i32
      %jit3A_65 = arith.constant 32 : i32
      %eq3A = arith.constant 0 : i32
      %eq3A_66 = arith.cmpi eq, %jit3A_65, %eq3A : i32
      %jit3A_67 = arith.constant 1 : i32
      %select_n3A_68 = arith.select %eq3A_66, %jit3A_67, %jit3A_65 : i32
      %rem3A_69 = arith.remsi %add3A_45, %select_n3A_68 : i32
      %ne3A_70 = arith.constant 0 : i32
      %ne3A_71 = arith.cmpi ne, %rem3A_69, %ne3A_70 : i32
      %lt3A = arith.constant 0 : i32
      %lt3A_72 = arith.cmpi slt, %rem3A_69, %lt3A : i32
      %lt3A_73 = arith.constant 0 : i32
      %lt3A_74 = arith.cmpi slt, %select_n3A_68, %lt3A_73 : i32
      %ne3A_75 = arith.xori %lt3A_72, %lt3A_74 : i1
      %and3A_76 = arith.andi %ne3A_75, %ne3A_71 : i1
      %add3A_77 = arith.addi %rem3A_69, %select_n3A_68 : i32
      %select_n3A_78 = arith.select %and3A_76, %add3A_77, %rem3A_69 : i32
      %jit3A_79 = arith.constant 8 : i32
      %div3A_80 = arith.divsi %select_n3A_78, %jit3A_79 : i32
      %sign3A_81 = arith.constant 0 : i32
      %sign3A_82 = arith.cmpi sgt, %select_n3A_78, %sign3A_81 : i32
      %sign3A_83 = arith.extui %sign3A_82 : i1 to i32
      %sign3A_84 = arith.constant 0 : i32
      %sign3A_85 = arith.cmpi slt, %select_n3A_78, %sign3A_84 : i32
      %sign3A_86 = arith.extui %sign3A_85 : i1 to i32
      %sign3A_87 = arith.subi %sign3A_83, %sign3A_86 : i32
      %sign3A_88 = arith.constant 0 : i32
      %sign3A_89 = arith.cmpi sgt, %jit3A_79, %sign3A_88 : i32
      %sign3A_90 = arith.extui %sign3A_89 : i1 to i32
      %sign3A_91 = arith.constant 0 : i32
      %sign3A_92 = arith.cmpi slt, %jit3A_79, %sign3A_91 : i32
      %sign3A_93 = arith.extui %sign3A_92 : i1 to i32
      %sign3A_94 = arith.subi %sign3A_90, %sign3A_93 : i32
      %ne3A_95 = arith.cmpi ne, %sign3A_87, %sign3A_94 : i32
      %rem3A_96 = arith.remsi %select_n3A_78, %jit3A_79 : i32
      %ne3A_97 = arith.constant 0 : i32
      %ne3A_98 = arith.cmpi ne, %rem3A_96, %ne3A_97 : i32
      %and3A_99 = arith.andi %ne3A_95, %ne3A_98 : i1
      %sub3A_100 = arith.constant 1 : i32
      %sub3A_101 = arith.subi %div3A_80, %sub3A_100 : i32
      %select_n3A_102 = arith.select %and3A_99, %sub3A_101, %div3A_80 : i32
      %jit3A_103 = arith.constant 8 : i32
      %eq3A_104 = arith.constant 0 : i32
      %eq3A_105 = arith.cmpi eq, %jit3A_103, %eq3A_104 : i32
      %jit3A_106 = arith.constant 1 : i32
      %select_n3A_107 = arith.select %eq3A_105, %jit3A_106, %jit3A_103 : i32
      %rem3A_108 = arith.remsi %select_n3A_78, %select_n3A_107 : i32
      %ne3A_109 = arith.constant 0 : i32
      %ne3A_110 = arith.cmpi ne, %rem3A_108, %ne3A_109 : i32
      %lt3A_111 = arith.constant 0 : i32
      %lt3A_112 = arith.cmpi slt, %rem3A_108, %lt3A_111 : i32
      %lt3A_113 = arith.constant 0 : i32
      %lt3A_114 = arith.cmpi slt, %select_n3A_107, %lt3A_113 : i32
      %ne3A_115 = arith.xori %lt3A_112, %lt3A_114 : i1
      %and3A_116 = arith.andi %ne3A_115, %ne3A_110 : i1
      %add3A_117 = arith.addi %rem3A_108, %select_n3A_107 : i32
      %select_n3A_118 = arith.select %and3A_116, %add3A_117, %rem3A_108 : i32
      %mul3A_119 = arith.constant 512 : i32
      %mul3A_120 = arith.muli %select_n3A_118, %mul3A_119 : i32
      %dma_start3A_121 = arith.constant 0 : i32
      %dma_start3A_122 = tpu.memref_slice %arg4[%select_n3A, %mul3A_120, %select_n3A_102, %dma_start3A_121] : memref<50x4096x4x32xf32, #tpu.memory_space<hbm>> -> memref<1x512x1x32xf32, #tpu.memory_space<hbm>>
      %dma_start3A_123 = tpu.memref_squeeze %dma_start3A_122 : memref<1x512x1x32xf32, #tpu.memory_space<hbm>> -> memref<512x32xf32, #tpu.memory_space<hbm>>
      %dma_start3A_124 = arith.constant 0 : i32
      %dma_start3A_125 = tpu.memref_slice %arg4[%select_n3A, %mul3A_120, %select_n3A_102, %dma_start3A_124] : memref<50x4096x4x32xf32, #tpu.memory_space<hbm>> -> memref<1x512x1x32xf32, #tpu.memory_space<hbm>>
      %dma_start3A_126 = tpu.memref_squeeze %dma_start3A_125 : memref<1x512x1x32xf32, #tpu.memory_space<hbm>> -> memref<512x32xf32, #tpu.memory_space<hbm>>
      tpu.enqueue_dma source(%arg6 : memref<512x32xf32, #tpu.memory_space<vmem>>) target(%dma_start3A_126 : memref<512x32xf32, #tpu.memory_space<hbm>>) target_semaphore(%arg8 : memref<!tpu.dma_semaphore, #tpu.memory_space<semaphore_mem>>)
      %add3A_127 = arith.constant 2 : i32
      %add3A_128 = arith.addi %add3A_44, %add3A_127 : i32
      %lt3A_129 = arith.constant 50 : i32
      %lt3A_130 = arith.cmpi slt, %add3A_128, %lt3A_129 : i32
      %convert_element_type3A = arith.extui %lt3A_130 : i1 to i32
      %cond3A = arith.constant 0 : i32
      %cond3A_131 = arith.cmpi ne, %convert_element_type3A, %cond3A : i32
      scf.if %cond3A_131 {
        %add3A_235 = arith.constant 2 : i32
        %add3A_236 = arith.addi %add3A_45, %add3A_235 : i32
        %mul3A_237 = arith.constant 512 : i32
        %mul3A_238 = arith.muli %add3A_236, %mul3A_237 : i32
        "tpu.region"() ({
          %run_scoped3A = tpu.sem_alloc : memref<!tpu.dma_semaphore, #tpu.memory_space<semaphore_mem>>
          %dma_start3A_330 = tpu.memref_slice %arg2[%mul3A_238] : memref<819200xi32, #tpu.memory_space<hbm>> -> memref<512xi32, #tpu.memory_space<hbm>>
          %dma_start3A_331 = tpu.memref_slice %arg2[%mul3A_238] : memref<819200xi32, #tpu.memory_space<hbm>> -> memref<512xi32, #tpu.memory_space<hbm>>
          tpu.enqueue_dma source(%dma_start3A_331 : memref<512xi32, #tpu.memory_space<hbm>>) target(%arg5 : memref<512xi32, #tpu.memory_space<vmem>>) target_semaphore(%run_scoped3A : memref<!tpu.dma_semaphore, #tpu.memory_space<semaphore_mem>>)
          %dma_wait3A_332 = tpu.memref_slice %arg2[%mul3A_238] : memref<819200xi32, #tpu.memory_space<hbm>> -> memref<512xi32, #tpu.memory_space<hbm>>
          %dma_wait3A_333 = tpu.memref_slice %arg2[%mul3A_238] : memref<819200xi32, #tpu.memory_space<hbm>> -> memref<512xi32, #tpu.memory_space<hbm>>
          tpu.wait_dma2 semaphore(%run_scoped3A : memref<!tpu.dma_semaphore, #tpu.memory_space<semaphore_mem>>) src(%dma_wait3A_333 : memref<512xi32, #tpu.memory_space<hbm>>) dst(%arg5 : memref<512xi32, #tpu.memory_space<vmem>>)
          tpu.yield
        }) : () -> ()
        %jit3A_239 = arith.constant 32 : i32
        %div3A_240 = arith.divsi %add3A_45, %jit3A_239 : i32
        %sign3A_241 = arith.constant 0 : i32
        %sign3A_242 = arith.cmpi sgt, %add3A_45, %sign3A_241 : i32
        %sign3A_243 = arith.extui %sign3A_242 : i1 to i32
        %sign3A_244 = arith.constant 0 : i32
        %sign3A_245 = arith.cmpi slt, %add3A_45, %sign3A_244 : i32
        %sign3A_246 = arith.extui %sign3A_245 : i1 to i32
        %sign3A_247 = arith.subi %sign3A_243, %sign3A_246 : i32
        %sign3A_248 = arith.constant 0 : i32
        %sign3A_249 = arith.cmpi sgt, %jit3A_239, %sign3A_248 : i32
        %sign3A_250 = arith.extui %sign3A_249 : i1 to i32
        %sign3A_251 = arith.constant 0 : i32
        %sign3A_252 = arith.cmpi slt, %jit3A_239, %sign3A_251 : i32
        %sign3A_253 = arith.extui %sign3A_252 : i1 to i32
        %sign3A_254 = arith.subi %sign3A_250, %sign3A_253 : i32
        %ne3A_255 = arith.cmpi ne, %sign3A_247, %sign3A_254 : i32
        %rem3A_256 = arith.remsi %add3A_45, %jit3A_239 : i32
        %ne3A_257 = arith.constant 0 : i32
        %ne3A_258 = arith.cmpi ne, %rem3A_256, %ne3A_257 : i32
        %and3A_259 = arith.andi %ne3A_255, %ne3A_258 : i1
        %sub3A_260 = arith.constant 1 : i32
        %sub3A_261 = arith.subi %div3A_240, %sub3A_260 : i32
        %select_n3A_262 = arith.select %and3A_259, %sub3A_261, %div3A_240 : i32
        %jit3A_263 = arith.constant 32 : i32
        %eq3A_264 = arith.constant 0 : i32
        %eq3A_265 = arith.cmpi eq, %jit3A_263, %eq3A_264 : i32
        %jit3A_266 = arith.constant 1 : i32
        %select_n3A_267 = arith.select %eq3A_265, %jit3A_266, %jit3A_263 : i32
        %rem3A_268 = arith.remsi %add3A_45, %select_n3A_267 : i32
        %ne3A_269 = arith.constant 0 : i32
        %ne3A_270 = arith.cmpi ne, %rem3A_268, %ne3A_269 : i32
        %lt3A_271 = arith.constant 0 : i32
        %lt3A_272 = arith.cmpi slt, %rem3A_268, %lt3A_271 : i32
        %lt3A_273 = arith.constant 0 : i32
        %lt3A_274 = arith.cmpi slt, %select_n3A_267, %lt3A_273 : i32
        %ne3A_275 = arith.xori %lt3A_272, %lt3A_274 : i1
        %and3A_276 = arith.andi %ne3A_275, %ne3A_270 : i1
        %add3A_277 = arith.addi %rem3A_268, %select_n3A_267 : i32
        %select_n3A_278 = arith.select %and3A_276, %add3A_277, %rem3A_268 : i32
        %jit3A_279 = arith.constant 8 : i32
        %div3A_280 = arith.divsi %select_n3A_278, %jit3A_279 : i32
        %sign3A_281 = arith.constant 0 : i32
        %sign3A_282 = arith.cmpi sgt, %select_n3A_278, %sign3A_281 : i32
        %sign3A_283 = arith.extui %sign3A_282 : i1 to i32
        %sign3A_284 = arith.constant 0 : i32
        %sign3A_285 = arith.cmpi slt, %select_n3A_278, %sign3A_284 : i32
        %sign3A_286 = arith.extui %sign3A_285 : i1 to i32
        %sign3A_287 = arith.subi %sign3A_283, %sign3A_286 : i32
        %sign3A_288 = arith.constant 0 : i32
        %sign3A_289 = arith.cmpi sgt, %jit3A_279, %sign3A_288 : i32
        %sign3A_290 = arith.extui %sign3A_289 : i1 to i32
        %sign3A_291 = arith.constant 0 : i32
        %sign3A_292 = arith.cmpi slt, %jit3A_279, %sign3A_291 : i32
        %sign3A_293 = arith.extui %sign3A_292 : i1 to i32
        %sign3A_294 = arith.subi %sign3A_290, %sign3A_293 : i32
        %ne3A_295 = arith.cmpi ne, %sign3A_287, %sign3A_294 : i32
        %rem3A_296 = arith.remsi %select_n3A_278, %jit3A_279 : i32
        %ne3A_297 = arith.constant 0 : i32
        %ne3A_298 = arith.cmpi ne, %rem3A_296, %ne3A_297 : i32
        %and3A_299 = arith.andi %ne3A_295, %ne3A_298 : i1
        %sub3A_300 = arith.constant 1 : i32
        %sub3A_301 = arith.subi %div3A_280, %sub3A_300 : i32
        %select_n3A_302 = arith.select %and3A_299, %sub3A_301, %div3A_280 : i32
        %jit3A_303 = arith.constant 8 : i32
        %eq3A_304 = arith.constant 0 : i32
        %eq3A_305 = arith.cmpi eq, %jit3A_303, %eq3A_304 : i32
        %jit3A_306 = arith.constant 1 : i32
        %select_n3A_307 = arith.select %eq3A_305, %jit3A_306, %jit3A_303 : i32
        %rem3A_308 = arith.remsi %select_n3A_278, %select_n3A_307 : i32
        %ne3A_309 = arith.constant 0 : i32
        %ne3A_310 = arith.cmpi ne, %rem3A_308, %ne3A_309 : i32
        %lt3A_311 = arith.constant 0 : i32
        %lt3A_312 = arith.cmpi slt, %rem3A_308, %lt3A_311 : i32
        %lt3A_313 = arith.constant 0 : i32
        %lt3A_314 = arith.cmpi slt, %select_n3A_307, %lt3A_313 : i32
        %ne3A_315 = arith.xori %lt3A_312, %lt3A_314 : i1
        %and3A_316 = arith.andi %ne3A_315, %ne3A_310 : i1
        %add3A_317 = arith.addi %rem3A_308, %select_n3A_307 : i32
        %select_n3A_318 = arith.select %and3A_316, %add3A_317, %rem3A_308 : i32
        %mul3A_319 = arith.constant 512 : i32
        %mul3A_320 = arith.muli %select_n3A_318, %mul3A_319 : i32
        %dma_wait3A_321 = arith.constant 0 : i32
        %dma_wait3A_322 = tpu.memref_slice %arg4[%select_n3A_262, %mul3A_320, %select_n3A_302, %dma_wait3A_321] : memref<50x4096x4x32xf32, #tpu.memory_space<hbm>> -> memref<1x512x1x32xf32, #tpu.memory_space<hbm>>
        %dma_wait3A_323 = tpu.memref_squeeze %dma_wait3A_322 : memref<1x512x1x32xf32, #tpu.memory_space<hbm>> -> memref<512x32xf32, #tpu.memory_space<hbm>>
        %dma_wait3A_324 = arith.constant 0 : i32
        %dma_wait3A_325 = tpu.memref_slice %arg4[%select_n3A_262, %mul3A_320, %select_n3A_302, %dma_wait3A_324] : memref<50x4096x4x32xf32, #tpu.memory_space<hbm>> -> memref<1x512x1x32xf32, #tpu.memory_space<hbm>>
        %dma_wait3A_326 = tpu.memref_squeeze %dma_wait3A_325 : memref<1x512x1x32xf32, #tpu.memory_space<hbm>> -> memref<512x32xf32, #tpu.memory_space<hbm>>
        tpu.wait_dma2 semaphore(%arg8 : memref<!tpu.dma_semaphore, #tpu.memory_space<semaphore_mem>>) src(%arg6 : memref<512x32xf32, #tpu.memory_space<vmem>>) dst(%dma_wait3A_326 : memref<512x32xf32, #tpu.memory_space<hbm>>)
        %dma_start3A_327 = arith.constant 0 : i32
        %dma_start3A_328 = arith.constant 0 : i32
        %dma_start3A_329 = tpu.memref_slice %arg3[%dma_start3A_327, %dma_start3A_328] : memref<1015808x32xf32, #tpu.memory_space<hbm>> -> memref<1015808x32xf32, #tpu.memory_space<hbm>>
        tpu.enqueue_indirect_dma source(%dma_start3A_329 : memref<1015808x32xf32, #tpu.memory_space<hbm>>) target(%arg6 : memref<512x32xf32, #tpu.memory_space<vmem>>) offsets(%arg5 : memref<512xi32, #tpu.memory_space<vmem>>) semaphore(%arg7 : memref<!tpu.dma_semaphore, #tpu.memory_space<semaphore_mem>>)
      } else {
      }
      %mul3A_132 = arith.constant 2 : i32
      %mul3A_133 = arith.muli %scan3A_40, %mul3A_132 : i32
      %add3A_134 = arith.constant 1 : i32
      %add3A_135 = arith.addi %mul3A_133, %add3A_134 : i32
      %add3A_136 = arith.addi %mul3A_2, %add3A_135 : i32
      %dma_wait3A_137 = arith.constant 0 : i32
      %dma_wait3A_138 = arith.constant 0 : i32
      %dma_wait3A_139 = tpu.memref_slice %arg3[%dma_wait3A_137, %dma_wait3A_138] : memref<1015808x32xf32, #tpu.memory_space<hbm>> -> memref<1015808x32xf32, #tpu.memory_space<hbm>>
      tpu.wait_indirect_dma semaphore(%arg11 : memref<!tpu.dma_semaphore, #tpu.memory_space<semaphore_mem>>) src(%dma_wait3A_139 : memref<1015808x32xf32, #tpu.memory_space<hbm>>) dst(%arg10 : memref<512x32xf32, #tpu.memory_space<vmem>>)
      %jit3A_140 = arith.constant 32 : i32
      %div3A_141 = arith.divsi %add3A_136, %jit3A_140 : i32
      %sign3A_142 = arith.constant 0 : i32
      %sign3A_143 = arith.cmpi sgt, %add3A_136, %sign3A_142 : i32
      %sign3A_144 = arith.extui %sign3A_143 : i1 to i32
      %sign3A_145 = arith.constant 0 : i32
      %sign3A_146 = arith.cmpi slt, %add3A_136, %sign3A_145 : i32
      %sign3A_147 = arith.extui %sign3A_146 : i1 to i32
      %sign3A_148 = arith.subi %sign3A_144, %sign3A_147 : i32
      %sign3A_149 = arith.constant 0 : i32
      %sign3A_150 = arith.cmpi sgt, %jit3A_140, %sign3A_149 : i32
      %sign3A_151 = arith.extui %sign3A_150 : i1 to i32
      %sign3A_152 = arith.constant 0 : i32
      %sign3A_153 = arith.cmpi slt, %jit3A_140, %sign3A_152 : i32
      %sign3A_154 = arith.extui %sign3A_153 : i1 to i32
      %sign3A_155 = arith.subi %sign3A_151, %sign3A_154 : i32
      %ne3A_156 = arith.cmpi ne, %sign3A_148, %sign3A_155 : i32
      %rem3A_157 = arith.remsi %add3A_136, %jit3A_140 : i32
      %ne3A_158 = arith.constant 0 : i32
      %ne3A_159 = arith.cmpi ne, %rem3A_157, %ne3A_158 : i32
      %and3A_160 = arith.andi %ne3A_156, %ne3A_159 : i1
      %sub3A_161 = arith.constant 1 : i32
      %sub3A_162 = arith.subi %div3A_141, %sub3A_161 : i32
      %select_n3A_163 = arith.select %and3A_160, %sub3A_162, %div3A_141 : i32
      %jit3A_164 = arith.constant 32 : i32
      %eq3A_165 = arith.constant 0 : i32
      %eq3A_166 = arith.cmpi eq, %jit3A_164, %eq3A_165 : i32
      %jit3A_167 = arith.constant 1 : i32
      %select_n3A_168 = arith.select %eq3A_166, %jit3A_167, %jit3A_164 : i32
      %rem3A_169 = arith.remsi %add3A_136, %select_n3A_168 : i32
      %ne3A_170 = arith.constant 0 : i32
      %ne3A_171 = arith.cmpi ne, %rem3A_169, %ne3A_170 : i32
      %lt3A_172 = arith.constant 0 : i32
      %lt3A_173 = arith.cmpi slt, %rem3A_169, %lt3A_172 : i32
      %lt3A_174 = arith.constant 0 : i32
      %lt3A_175 = arith.cmpi slt, %select_n3A_168, %lt3A_174 : i32
      %ne3A_176 = arith.xori %lt3A_173, %lt3A_175 : i1
      %and3A_177 = arith.andi %ne3A_176, %ne3A_171 : i1
      %add3A_178 = arith.addi %rem3A_169, %select_n3A_168 : i32
      %select_n3A_179 = arith.select %and3A_177, %add3A_178, %rem3A_169 : i32
      %jit3A_180 = arith.constant 8 : i32
      %div3A_181 = arith.divsi %select_n3A_179, %jit3A_180 : i32
      %sign3A_182 = arith.constant 0 : i32
      %sign3A_183 = arith.cmpi sgt, %select_n3A_179, %sign3A_182 : i32
      %sign3A_184 = arith.extui %sign3A_183 : i1 to i32
      %sign3A_185 = arith.constant 0 : i32
      %sign3A_186 = arith.cmpi slt, %select_n3A_179, %sign3A_185 : i32
      %sign3A_187 = arith.extui %sign3A_186 : i1 to i32
      %sign3A_188 = arith.subi %sign3A_184, %sign3A_187 : i32
      %sign3A_189 = arith.constant 0 : i32
      %sign3A_190 = arith.cmpi sgt, %jit3A_180, %sign3A_189 : i32
      %sign3A_191 = arith.extui %sign3A_190 : i1 to i32
      %sign3A_192 = arith.constant 0 : i32
      %sign3A_193 = arith.cmpi slt, %jit3A_180, %sign3A_192 : i32
      %sign3A_194 = arith.extui %sign3A_193 : i1 to i32
      %sign3A_195 = arith.subi %sign3A_191, %sign3A_194 : i32
      %ne3A_196 = arith.cmpi ne, %sign3A_188, %sign3A_195 : i32
      %rem3A_197 = arith.remsi %select_n3A_179, %jit3A_180 : i32
      %ne3A_198 = arith.constant 0 : i32
      %ne3A_199 = arith.cmpi ne, %rem3A_197, %ne3A_198 : i32
      %and3A_200 = arith.andi %ne3A_196, %ne3A_199 : i1
      %sub3A_201 = arith.constant 1 : i32
      %sub3A_202 = arith.subi %div3A_181, %sub3A_201 : i32
      %select_n3A_203 = arith.select %and3A_200, %sub3A_202, %div3A_181 : i32
      %jit3A_204 = arith.constant 8 : i32
      %eq3A_205 = arith.constant 0 : i32
      %eq3A_206 = arith.cmpi eq, %jit3A_204, %eq3A_205 : i32
      %jit3A_207 = arith.constant 1 : i32
      %select_n3A_208 = arith.select %eq3A_206, %jit3A_207, %jit3A_204 : i32
      %rem3A_209 = arith.remsi %select_n3A_179, %select_n3A_208 : i32
      %ne3A_210 = arith.constant 0 : i32
      %ne3A_211 = arith.cmpi ne, %rem3A_209, %ne3A_210 : i32
      %lt3A_212 = arith.constant 0 : i32
      %lt3A_213 = arith.cmpi slt, %rem3A_209, %lt3A_212 : i32
      %lt3A_214 = arith.constant 0 : i32
      %lt3A_215 = arith.cmpi slt, %select_n3A_208, %lt3A_214 : i32
      %ne3A_216 = arith.xori %lt3A_213, %lt3A_215 : i1
      %and3A_217 = arith.andi %ne3A_216, %ne3A_211 : i1
      %add3A_218 = arith.addi %rem3A_209, %select_n3A_208 : i32
      %select_n3A_219 = arith.select %and3A_217, %add3A_218, %rem3A_209 : i32
      %mul3A_220 = arith.constant 512 : i32
      %mul3A_221 = arith.muli %select_n3A_219, %mul3A_220 : i32
      %dma_start3A_222 = arith.constant 0 : i32
      %dma_start3A_223 = tpu.memref_slice %arg4[%select_n3A_163, %mul3A_221, %select_n3A_203, %dma_start3A_222] : memref<50x4096x4x32xf32, #tpu.memory_space<hbm>> -> memref<1x512x1x32xf32, #tpu.memory_space<hbm>>
      %dma_start3A_224 = tpu.memref_squeeze %dma_start3A_223 : memref<1x512x1x32xf32, #tpu.memory_space<hbm>> -> memref<512x32xf32, #tpu.memory_space<hbm>>
      %dma_start3A_225 = arith.constant 0 : i32
      %dma_start3A_226 = tpu.memref_slice %arg4[%select_n3A_163, %mul3A_221, %select_n3A_203, %dma_start3A_225] : memref<50x4096x4x32xf32, #tpu.memory_space<hbm>> -> memref<1x512x1x32xf32, #tpu.memory_space<hbm>>
      %dma_start3A_227 = tpu.memref_squeeze %dma_start3A_226 : memref<1x512x1x32xf32, #tpu.memory_space<hbm>> -> memref<512x32xf32, #tpu.memory_space<hbm>>
      tpu.enqueue_dma source(%arg10 : memref<512x32xf32, #tpu.memory_space<vmem>>) target(%dma_start3A_227 : memref<512x32xf32, #tpu.memory_space<hbm>>) target_semaphore(%arg12 : memref<!tpu.dma_semaphore, #tpu.memory_space<semaphore_mem>>)
      %add3A_228 = arith.constant 2 : i32
      %add3A_229 = arith.addi %add3A_135, %add3A_228 : i32
      %lt3A_230 = arith.constant 50 : i32
      %lt3A_231 = arith.cmpi slt, %add3A_229, %lt3A_230 : i32
      %convert_element_type3A_232 = arith.extui %lt3A_231 : i1 to i32
      %cond3A_233 = arith.constant 0 : i32
      %cond3A_234 = arith.cmpi ne, %convert_element_type3A_232, %cond3A_233 : i32
      scf.if %cond3A_234 {
        %add3A_235 = arith.constant 2 : i32
        %add3A_236 = arith.addi %add3A_136, %add3A_235 : i32
        %mul3A_237 = arith.constant 512 : i32
        %mul3A_238 = arith.muli %add3A_236, %mul3A_237 : i32
        "tpu.region"() ({
          %run_scoped3A = tpu.sem_alloc : memref<!tpu.dma_semaphore, #tpu.memory_space<semaphore_mem>>
          %dma_start3A_330 = tpu.memref_slice %arg2[%mul3A_238] : memref<819200xi32, #tpu.memory_space<hbm>> -> memref<512xi32, #tpu.memory_space<hbm>>
          %dma_start3A_331 = tpu.memref_slice %arg2[%mul3A_238] : memref<819200xi32, #tpu.memory_space<hbm>> -> memref<512xi32, #tpu.memory_space<hbm>>
          tpu.enqueue_dma source(%dma_start3A_331 : memref<512xi32, #tpu.memory_space<hbm>>) target(%arg9 : memref<512xi32, #tpu.memory_space<vmem>>) target_semaphore(%run_scoped3A : memref<!tpu.dma_semaphore, #tpu.memory_space<semaphore_mem>>)
          %dma_wait3A_332 = tpu.memref_slice %arg2[%mul3A_238] : memref<819200xi32, #tpu.memory_space<hbm>> -> memref<512xi32, #tpu.memory_space<hbm>>
          %dma_wait3A_333 = tpu.memref_slice %arg2[%mul3A_238] : memref<819200xi32, #tpu.memory_space<hbm>> -> memref<512xi32, #tpu.memory_space<hbm>>
          tpu.wait_dma2 semaphore(%run_scoped3A : memref<!tpu.dma_semaphore, #tpu.memory_space<semaphore_mem>>) src(%dma_wait3A_333 : memref<512xi32, #tpu.memory_space<hbm>>) dst(%arg9 : memref<512xi32, #tpu.memory_space<vmem>>)
          tpu.yield
        }) : () -> ()
        %jit3A_239 = arith.constant 32 : i32
        %div3A_240 = arith.divsi %add3A_136, %jit3A_239 : i32
        %sign3A_241 = arith.constant 0 : i32
        %sign3A_242 = arith.cmpi sgt, %add3A_136, %sign3A_241 : i32
        %sign3A_243 = arith.extui %sign3A_242 : i1 to i32
        %sign3A_244 = arith.constant 0 : i32
        %sign3A_245 = arith.cmpi slt, %add3A_136, %sign3A_244 : i32
        %sign3A_246 = arith.extui %sign3A_245 : i1 to i32
        %sign3A_247 = arith.subi %sign3A_243, %sign3A_246 : i32
        %sign3A_248 = arith.constant 0 : i32
        %sign3A_249 = arith.cmpi sgt, %jit3A_239, %sign3A_248 : i32
        %sign3A_250 = arith.extui %sign3A_249 : i1 to i32
        %sign3A_251 = arith.constant 0 : i32
        %sign3A_252 = arith.cmpi slt, %jit3A_239, %sign3A_251 : i32
        %sign3A_253 = arith.extui %sign3A_252 : i1 to i32
        %sign3A_254 = arith.subi %sign3A_250, %sign3A_253 : i32
        %ne3A_255 = arith.cmpi ne, %sign3A_247, %sign3A_254 : i32
        %rem3A_256 = arith.remsi %add3A_136, %jit3A_239 : i32
        %ne3A_257 = arith.constant 0 : i32
        %ne3A_258 = arith.cmpi ne, %rem3A_256, %ne3A_257 : i32
        %and3A_259 = arith.andi %ne3A_255, %ne3A_258 : i1
        %sub3A_260 = arith.constant 1 : i32
        %sub3A_261 = arith.subi %div3A_240, %sub3A_260 : i32
        %select_n3A_262 = arith.select %and3A_259, %sub3A_261, %div3A_240 : i32
        %jit3A_263 = arith.constant 32 : i32
        %eq3A_264 = arith.constant 0 : i32
        %eq3A_265 = arith.cmpi eq, %jit3A_263, %eq3A_264 : i32
        %jit3A_266 = arith.constant 1 : i32
        %select_n3A_267 = arith.select %eq3A_265, %jit3A_266, %jit3A_263 : i32
        %rem3A_268 = arith.remsi %add3A_136, %select_n3A_267 : i32
        %ne3A_269 = arith.constant 0 : i32
        %ne3A_270 = arith.cmpi ne, %rem3A_268, %ne3A_269 : i32
        %lt3A_271 = arith.constant 0 : i32
        %lt3A_272 = arith.cmpi slt, %rem3A_268, %lt3A_271 : i32
        %lt3A_273 = arith.constant 0 : i32
        %lt3A_274 = arith.cmpi slt, %select_n3A_267, %lt3A_273 : i32
        %ne3A_275 = arith.xori %lt3A_272, %lt3A_274 : i1
        %and3A_276 = arith.andi %ne3A_275, %ne3A_270 : i1
        %add3A_277 = arith.addi %rem3A_268, %select_n3A_267 : i32
        %select_n3A_278 = arith.select %and3A_276, %add3A_277, %rem3A_268 : i32
        %jit3A_279 = arith.constant 8 : i32
        %div3A_280 = arith.divsi %select_n3A_278, %jit3A_279 : i32
        %sign3A_281 = arith.constant 0 : i32
        %sign3A_282 = arith.cmpi sgt, %select_n3A_278, %sign3A_281 : i32
        %sign3A_283 = arith.extui %sign3A_282 : i1 to i32
        %sign3A_284 = arith.constant 0 : i32
        %sign3A_285 = arith.cmpi slt, %select_n3A_278, %sign3A_284 : i32
        %sign3A_286 = arith.extui %sign3A_285 : i1 to i32
        %sign3A_287 = arith.subi %sign3A_283, %sign3A_286 : i32
        %sign3A_288 = arith.constant 0 : i32
        %sign3A_289 = arith.cmpi sgt, %jit3A_279, %sign3A_288 : i32
        %sign3A_290 = arith.extui %sign3A_289 : i1 to i32
        %sign3A_291 = arith.constant 0 : i32
        %sign3A_292 = arith.cmpi slt, %jit3A_279, %sign3A_291 : i32
        %sign3A_293 = arith.extui %sign3A_292 : i1 to i32
        %sign3A_294 = arith.subi %sign3A_290, %sign3A_293 : i32
        %ne3A_295 = arith.cmpi ne, %sign3A_287, %sign3A_294 : i32
        %rem3A_296 = arith.remsi %select_n3A_278, %jit3A_279 : i32
        %ne3A_297 = arith.constant 0 : i32
        %ne3A_298 = arith.cmpi ne, %rem3A_296, %ne3A_297 : i32
        %and3A_299 = arith.andi %ne3A_295, %ne3A_298 : i1
        %sub3A_300 = arith.constant 1 : i32
        %sub3A_301 = arith.subi %div3A_280, %sub3A_300 : i32
        %select_n3A_302 = arith.select %and3A_299, %sub3A_301, %div3A_280 : i32
        %jit3A_303 = arith.constant 8 : i32
        %eq3A_304 = arith.constant 0 : i32
        %eq3A_305 = arith.cmpi eq, %jit3A_303, %eq3A_304 : i32
        %jit3A_306 = arith.constant 1 : i32
        %select_n3A_307 = arith.select %eq3A_305, %jit3A_306, %jit3A_303 : i32
        %rem3A_308 = arith.remsi %select_n3A_278, %select_n3A_307 : i32
        %ne3A_309 = arith.constant 0 : i32
        %ne3A_310 = arith.cmpi ne, %rem3A_308, %ne3A_309 : i32
        %lt3A_311 = arith.constant 0 : i32
        %lt3A_312 = arith.cmpi slt, %rem3A_308, %lt3A_311 : i32
        %lt3A_313 = arith.constant 0 : i32
        %lt3A_314 = arith.cmpi slt, %select_n3A_307, %lt3A_313 : i32
        %ne3A_315 = arith.xori %lt3A_312, %lt3A_314 : i1
        %and3A_316 = arith.andi %ne3A_315, %ne3A_310 : i1
        %add3A_317 = arith.addi %rem3A_308, %select_n3A_307 : i32
        %select_n3A_318 = arith.select %and3A_316, %add3A_317, %rem3A_308 : i32
        %mul3A_319 = arith.constant 512 : i32
        %mul3A_320 = arith.muli %select_n3A_318, %mul3A_319 : i32
        %dma_wait3A_321 = arith.constant 0 : i32
        %dma_wait3A_322 = tpu.memref_slice %arg4[%select_n3A_262, %mul3A_320, %select_n3A_302, %dma_wait3A_321] : memref<50x4096x4x32xf32, #tpu.memory_space<hbm>> -> memref<1x512x1x32xf32, #tpu.memory_space<hbm>>
        %dma_wait3A_323 = tpu.memref_squeeze %dma_wait3A_322 : memref<1x512x1x32xf32, #tpu.memory_space<hbm>> -> memref<512x32xf32, #tpu.memory_space<hbm>>
        %dma_wait3A_324 = arith.constant 0 : i32
        %dma_wait3A_325 = tpu.memref_slice %arg4[%select_n3A_262, %mul3A_320, %select_n3A_302, %dma_wait3A_324] : memref<50x4096x4x32xf32, #tpu.memory_space<hbm>> -> memref<1x512x1x32xf32, #tpu.memory_space<hbm>>
        %dma_wait3A_326 = tpu.memref_squeeze %dma_wait3A_325 : memref<1x512x1x32xf32, #tpu.memory_space<hbm>> -> memref<512x32xf32, #tpu.memory_space<hbm>>
        tpu.wait_dma2 semaphore(%arg12 : memref<!tpu.dma_semaphore, #tpu.memory_space<semaphore_mem>>) src(%arg10 : memref<512x32xf32, #tpu.memory_space<vmem>>) dst(%dma_wait3A_326 : memref<512x32xf32, #tpu.memory_space<hbm>>)
        %dma_start3A_327 = arith.constant 0 : i32
        %dma_start3A_328 = arith.constant 0 : i32
        %dma_start3A_329 = tpu.memref_slice %arg3[%dma_start3A_327, %dma_start3A_328] : memref<1015808x32xf32, #tpu.memory_space<hbm>> -> memref<1015808x32xf32, #tpu.memory_space<hbm>>
        tpu.enqueue_indirect_dma source(%dma_start3A_329 : memref<1015808x32xf32, #tpu.memory_space<hbm>>) target(%arg10 : memref<512x32xf32, #tpu.memory_space<vmem>>) offsets(%arg9 : memref<512xi32, #tpu.memory_space<vmem>>) semaphore(%arg11 : memref<!tpu.dma_semaphore, #tpu.memory_space<semaphore_mem>>)
      } else {
      }
    }
    %scan3A_20 = arith.constant 25 : i32
    %dma_wait3A = arith.constant 0 : i32
    %dma_wait3A_21 = arith.constant 0 : i32
    %dma_wait3A_22 = arith.constant 0 : i32
    %dma_wait3A_23 = arith.constant 0 : i32
    %dma_wait3A_24 = tpu.memref_slice %arg4[%dma_wait3A, %dma_wait3A_22, %dma_wait3A_21, %dma_wait3A_23] : memref<50x4096x4x32xf32, #tpu.memory_space<hbm>> -> memref<1x512x1x32xf32, #tpu.memory_space<hbm>>
    %dma_wait3A_25 = tpu.memref_squeeze %dma_wait3A_24 : memref<1x512x1x32xf32, #tpu.memory_space<hbm>> -> memref<512x32xf32, #tpu.memory_space<hbm>>
    %dma_wait3A_26 = arith.constant 0 : i32
    %dma_wait3A_27 = arith.constant 0 : i32
    %dma_wait3A_28 = tpu.memref_slice %arg4[%dma_wait3A, %dma_wait3A_26, %dma_wait3A_21, %dma_wait3A_27] : memref<50x4096x4x32xf32, #tpu.memory_space<hbm>> -> memref<1x512x1x32xf32, #tpu.memory_space<hbm>>
    %dma_wait3A_29 = tpu.memref_squeeze %dma_wait3A_28 : memref<1x512x1x32xf32, #tpu.memory_space<hbm>> -> memref<512x32xf32, #tpu.memory_space<hbm>>
    tpu.wait_dma2 semaphore(%arg8 : memref<!tpu.dma_semaphore, #tpu.memory_space<semaphore_mem>>) src(%arg6 : memref<512x32xf32, #tpu.memory_space<vmem>>) dst(%dma_wait3A_29 : memref<512x32xf32, #tpu.memory_space<hbm>>)
    %dma_wait3A_30 = arith.constant 0 : i32
    %dma_wait3A_31 = arith.constant 0 : i32
    %dma_wait3A_32 = arith.constant 0 : i32
    %dma_wait3A_33 = arith.constant 0 : i32
    %dma_wait3A_34 = tpu.memref_slice %arg4[%dma_wait3A_30, %dma_wait3A_32, %dma_wait3A_31, %dma_wait3A_33] : memref<50x4096x4x32xf32, #tpu.memory_space<hbm>> -> memref<1x512x1x32xf32, #tpu.memory_space<hbm>>
    %dma_wait3A_35 = tpu.memref_squeeze %dma_wait3A_34 : memref<1x512x1x32xf32, #tpu.memory_space<hbm>> -> memref<512x32xf32, #tpu.memory_space<hbm>>
    %dma_wait3A_36 = arith.constant 0 : i32
    %dma_wait3A_37 = arith.constant 0 : i32
    %dma_wait3A_38 = tpu.memref_slice %arg4[%dma_wait3A_30, %dma_wait3A_36, %dma_wait3A_31, %dma_wait3A_37] : memref<50x4096x4x32xf32, #tpu.memory_space<hbm>> -> memref<1x512x1x32xf32, #tpu.memory_space<hbm>>
    %dma_wait3A_39 = tpu.memref_squeeze %dma_wait3A_38 : memref<1x512x1x32xf32, #tpu.memory_space<hbm>> -> memref<512x32xf32, #tpu.memory_space<hbm>>
    tpu.wait_dma2 semaphore(%arg12 : memref<!tpu.dma_semaphore, #tpu.memory_space<semaphore_mem>>) src(%arg10 : memref<512x32xf32, #tpu.memory_space<vmem>>) dst(%dma_wait3A_39 : memref<512x32xf32, #tpu.memory_space<hbm>>)
    return
  }
}

module attributes {stable_mosaic.version = 14 : i64} {
  func.func @body(%arg0: i32, %arg1: memref<32x16384xf32, #tpu.memory_space<vmem>>, %arg2: memref<4096x128xf32, #tpu.memory_space<vmem>>) attributes {dimension_semantics = [#tpu.dimension_semantics<arbitrary>], iteration_bounds = array<i64: 62>, scalar_prefetch = 0 : i64, scratch_operands = 0 : i64, tpu.core_type = #tpu.core_type<tc>, window_params = [{transform_indices = @transform_0, window_bounds = array<i64: 32, 16384>}, {transform_indices = @transform_1, window_bounds = array<i64: 4096, 128>}]} {
    %get3A = arith.constant 0 : index
    %get3A_0 = arith.constant 0 : index
    %get3A_1 = vector.load %arg1[%get3A, %get3A_0] : memref<32x16384xf32, #tpu.memory_space<vmem>>, vector<32x16384xf32>
    %slice3A = vector.extract_strided_slice %get3A_1 {offsets = [0, 0], sizes = [32, 4096], strides = [1, 1]} : vector<32x16384xf32> to vector<32x4096xf32>
    %slice3A_2 = vector.extract_strided_slice %get3A_1 {offsets = [0, 4096], sizes = [32, 4096], strides = [1, 1]} : vector<32x16384xf32> to vector<32x4096xf32>
    %slice3A_3 = vector.extract_strided_slice %get3A_1 {offsets = [0, 8192], sizes = [32, 4096], strides = [1, 1]} : vector<32x16384xf32> to vector<32x4096xf32>
    %slice3A_4 = vector.extract_strided_slice %get3A_1 {offsets = [0, 12288], sizes = [32, 4096], strides = [1, 1]} : vector<32x16384xf32> to vector<32x4096xf32>
    %concatenate3A = tpu.concatenate %slice3A, %slice3A_2, %slice3A_3, %slice3A_4 in 0 : vector<32x4096xf32>, vector<32x4096xf32>, vector<32x4096xf32>, vector<32x4096xf32> -> vector<128x4096xf32>
    %transpose3A = tpu.transpose %concatenate3A, [1, 0] : vector<128x4096xf32> -> vector<4096x128xf32>
    %swap3A = arith.constant 0 : index
    %swap3A_5 = arith.constant 0 : index
    %swap3A_6 = vector.load %arg2[%swap3A, %swap3A_5] : memref<4096x128xf32, #tpu.memory_space<vmem>>, vector<4096x128xf32>
    tpu.vector_store %arg2[%swap3A, %swap3A_5], %transpose3A {strides = array<i32>} : memref<4096x128xf32, #tpu.memory_space<vmem>>, vector<4096x128xf32>,
    return
  }
  func.func @transform_0(%arg0: i32) -> (i32, i32) {
    %c0_i32 = arith.constant 0 : i32
    %c0_i32_0 = arith.constant 0 : i32
    return %c0_i32, %arg0 : i32, i32
  }
  func.func @transform_1(%arg0: i32) -> (i32, i32) {
    %c0_i32 = arith.constant 0 : i32
    %c0_i32_0 = arith.constant 0 : i32
    return %arg0, %c0_i32 : i32, i32
  }
}

module attributes {stable_mosaic.version = 14 : i64} {
  func.func @body(%arg0: i32, %arg1: memref<4096x128xf32, #tpu.memory_space<vmem>>, %arg2: memref<1x32x16384xf32, #tpu.memory_space<vmem>>) attributes {dimension_semantics = [#tpu.dimension_semantics<arbitrary>], iteration_bounds = array<i64: 50>, scalar_prefetch = 0 : i64, scratch_operands = 0 : i64, tpu.core_type = #tpu.core_type<tc>, window_params = [{transform_indices = @transform_0, window_bounds = array<i64: 4096, 128>}, {transform_indices = @transform_1, window_bounds = array<i64: 1, 32, 16384>}]} {
    %get3A = arith.constant 0 : index
    %get3A_0 = arith.constant 0 : index
    %get3A_1 = vector.load %arg1[%get3A, %get3A_0] : memref<4096x128xf32, #tpu.memory_space<vmem>>, vector<4096x128xf32>
    %transpose3A = tpu.transpose %get3A_1, [1, 0] : vector<4096x128xf32> -> vector<128x4096xf32>
    %slice3A = vector.extract_strided_slice %transpose3A {offsets = [0, 0], sizes = [32, 4096], strides = [1, 1]} : vector<128x4096xf32> to vector<32x4096xf32>
    %swap3A = arith.constant 0 : index
    %swap3A_2 = arith.constant 0 : index
    %swap3A_3 = arith.constant 0 : index
    %swap3A_4 = vector.load %arg2[%swap3A, %swap3A_2, %swap3A_3] : memref<1x32x16384xf32, #tpu.memory_space<vmem>>, vector<1x32x4096xf32>
    %swap3A_5 = vector.shape_cast %swap3A_4 : vector<1x32x4096xf32> to vector<32x4096xf32>
    %swap3A_6 = vector.shape_cast %slice3A : vector<32x4096xf32> to vector<1x32x4096xf32>
    tpu.vector_store %arg2[%swap3A, %swap3A_2, %swap3A_3], %swap3A_6 {strides = array<i32>} : memref<1x32x16384xf32, #tpu.memory_space<vmem>>, vector<1x32x4096xf32>,
    %slice3A_7 = vector.extract_strided_slice %transpose3A {offsets = [32, 0], sizes = [32, 4096], strides = [1, 1]} : vector<128x4096xf32> to vector<32x4096xf32>
    %swap3A_8 = arith.constant 0 : index
    %swap3A_9 = arith.constant 0 : index
    %swap3A_10 = arith.constant 4096 : index
    %swap3A_11 = vector.load %arg2[%swap3A_8, %swap3A_9, %swap3A_10] : memref<1x32x16384xf32, #tpu.memory_space<vmem>>, vector<1x32x4096xf32>
    %swap3A_12 = vector.shape_cast %swap3A_11 : vector<1x32x4096xf32> to vector<32x4096xf32>
    %swap3A_13 = vector.shape_cast %slice3A_7 : vector<32x4096xf32> to vector<1x32x4096xf32>
    tpu.vector_store %arg2[%swap3A_8, %swap3A_9, %swap3A_10], %swap3A_13 {strides = array<i32>} : memref<1x32x16384xf32, #tpu.memory_space<vmem>>, vector<1x32x4096xf32>,
    %slice3A_14 = vector.extract_strided_slice %transpose3A {offsets = [64, 0], sizes = [32, 4096], strides = [1, 1]} : vector<128x4096xf32> to vector<32x4096xf32>
    %swap3A_15 = arith.constant 0 : index
    %swap3A_16 = arith.constant 0 : index
    %swap3A_17 = arith.constant 8192 : index
    %swap3A_18 = vector.load %arg2[%swap3A_15, %swap3A_16, %swap3A_17] : memref<1x32x16384xf32, #tpu.memory_space<vmem>>, vector<1x32x4096xf32>
    %swap3A_19 = vector.shape_cast %swap3A_18 : vector<1x32x4096xf32> to vector<32x4096xf32>
    %swap3A_20 = vector.shape_cast %slice3A_14 : vector<32x4096xf32> to vector<1x32x4096xf32>
    tpu.vector_store %arg2[%swap3A_15, %swap3A_16, %swap3A_17], %swap3A_20 {strides = array<i32>} : memref<1x32x16384xf32, #tpu.memory_space<vmem>>, vector<1x32x4096xf32>,
    %slice3A_21 = vector.extract_strided_slice %transpose3A {offsets = [96, 0], sizes = [32, 4096], strides = [1, 1]} : vector<128x4096xf32> to vector<32x4096xf32>
    %swap3A_22 = arith.constant 0 : index
    %swap3A_23 = arith.constant 0 : index
    %swap3A_24 = arith.constant 12288 : index
    %swap3A_25 = vector.load %arg2[%swap3A_22, %swap3A_23, %swap3A_24] : memref<1x32x16384xf32, #tpu.memory_space<vmem>>, vector<1x32x4096xf32>
    %swap3A_26 = vector.shape_cast %swap3A_25 : vector<1x32x4096xf32> to vector<32x4096xf32>
    %swap3A_27 = vector.shape_cast %slice3A_21 : vector<32x4096xf32> to vector<1x32x4096xf32>
    tpu.vector_store %arg2[%swap3A_22, %swap3A_23, %swap3A_24], %swap3A_27 {strides = array<i32>} : memref<1x32x16384xf32, #tpu.memory_space<vmem>>, vector<1x32x4096xf32>,
    return
  }
  func.func @transform_0(%arg0: i32) -> (i32, i32) {
    %c0_i32 = arith.constant 0 : i32
    %c0_i32_0 = arith.constant 0 : i32
    return %arg0, %c0_i32 : i32, i32
  }
  func.func @transform_1(%arg0: i32) -> (i32, i32, i32) {
    %c0_i32 = arith.constant 0 : i32
    %c0_i32_0 = arith.constant 0 : i32
    %c0_i32_1 = arith.constant 0 : i32
    return %arg0, %c0_i32, %c0_i32_0 : i32, i32, i32
  }
}

</mosaic_0001>

<sc_bundles>
// kernel: kernel.5.cloned.1.call-start
scs
__scs_entry_jumppad:
0x0: {  	(pc) =	sbr.rel $0x88, $3  }
0x1: {  	(tag) =	ssettag $0x0;
	lr =	simm.s32 $0x1  }
0x2: {  	[smem:$0x3F9F] =	sst lr;
	_ =	strace $0xD0000000  }
0x3: {  	_ = 	snop  }
0x4: {  	_ = 	snop  }
0x5: {  	_ = 	snop  }
0x6: {  	_ = 	snop  }
0x7: {  	_ = 	snop  }
__scs_overlays_trampoline_lowered:
0x8: {  	[smem:$0x3FAE] =	sst s0  }
0x9: {  	[smem:$0x3FAF] =	sst s1  }
0xa: {  	[smem:$0x3FB0] =	sst s2  }
0xb: {  	[smem:$0x3FB1] =	sst s3  }
0xc: {  	[smem:$0x3FB2] =	sst s4  }
0xd: {  	[smem:$0x3FB3] =	sst s5  }
0xe: {  	[smem:$0x3FB4] =	sst s6  }
0xf: {  	[smem:$0x3FB5] =	sst s7  }
0x10: {  	[smem:$0x3FB6] =	sst s8  }
0x11: {  	[smem:$0x3FB7] =	sst s9;
	s0 =	simm.s32 @!p0 $0x0  }
0x12: {  	s1 =	sld [smem:$0x3F9D];
	s0 =	simm.s32 @p0 $0x1  }
0x13: {  	[smem:$0x3FB8] =	sst s0;
	s0 =	simm.s32 @!p1 $0x0  }
0x14: {  	s2 =	sld [smem:$0x3F9C];
	s0 =	simm.s32 @p1 $0x1  }
0x15: {  	[smem:$0x3FB9] =	sst s0;
	s0 =	simm.s32 @!p2 $0x0  }
0x16: {  	s3 =	sld [smem:$0x3FDB];
	s0 =	simm.s32 @p2 $0x1  }
0x17: {  	s4 =	simm.s32 $0x1BF5;
	[smem:$0x3FBB] =	sst s0  }
0x18: {  	s0 =	sld [smem:$0x3F9E];
	_ =	swait.ge [sflag:s4], $0x0  }
0x19: {  	s7 =	sld [smem:$0x3F9F]  }
0x1a: {  	s8 =	sadd.s32 $0xFFFFE003, lr  }
0x1b: {  	s9 =	sadd.s32 $0xFFFFFEF7, lr;
	s5 =	simm.s32 $0xFFFFFFFF;
	p2 =	slt.u32 s8, $0xFFFFF086  }
0x1c: {  	p1 =	slt.u32 s9, $0xF7A;
	s5 =	simm.s32 @!p2 $0x0  }
0x1d: {  	s5 =	simm.s32 @p1 $0x1;
	p0 =	seq.s32 s7, s2  }
0x1e: {  	s7 =	smul.u32 @!p0 $0xF7A, s2;
	p2 =	seq.s32 @!p0 s5, $0x0  }
0x1f: {  	s9 =	smul.u32 $0xF7A, s1;
	s8 =	simm.s32 @!p0 $0x1BF5;
	p2 =	por !p2, p0  }
0x20: {  	[sflag:s8] =	ssyncset.s32 @!p0 $0xFFFFF086;
	s6 =	sadd.s32 @!p0 s3, s7;
	s7 =	simm.s32 @!p0 $0x108  }
0x21: {  	s3 =	sadd.s32 s3, s9;
	s6 =	sadd.s32 @!p0 $0x88, s6;
	s7 =	simm.s32 @p2 $0x1082  }
0x22: {  	[simem:s7], [sflag:s8] =	dma.local @!p0 [hbm:s6], $0xF7A  }
0x23: {  	s9 =	sor.u32 $0xD0000000, s2;
	s6 =	simm.s32 $0x108;
	_ =	swait.ge @!p0 [sflag:s8], $0x0  }
0x24: {  	s3 =	sadd.s32 $0x88, s3;
	s6 =	simm.s32 @!p1 $0x1082;
	[sflag:s4] =	ssyncset.s32 $0xFFFFF086  }
0x25: {  	[simem:s6], [sflag:s4] =	dma.local [hbm:s3], $0xF7A  }
0x26: {  	[smem:$0x3F9F] =	sst s1;
	(tag) =	ssettag s2;
	_ =	strace s9  }
0x27: {  	s1 =	sld [smem:$0x3FAF]  }
0x28: {  	s2 =	sld [smem:$0x3FB0]  }
0x29: {  	s4 =	sld [smem:$0x3FB2]  }
0x2a: {  	p0 =	seq.s32 s5, $0x0;
	s5 =	sld [smem:$0x3FB3]  }
0x2b: {  	s6 =	sld [smem:$0x3FB4]  }
0x2c: {  	s7 =	sld [smem:$0x3FB5]  }
0x2d: {  	s3 =	simm.s32 $0x108;
	s8 =	sld [smem:$0x3FB6]  }
0x2e: {  	s3 =	simm.s32 @!p0 $0x1082;
	s9 =	sld [smem:$0x3FB7]  }
0x2f: {  	lr =	sadd.s32 s0, s3;
	s0 =	sld [smem:$0x3FAE]  }
0x30: {  	s3 =	sld [smem:$0x3FB1]  }
0x31: {  	[smem:$0x3FBA] =	sst s10  }
0x32: {  	s10 =	sld [smem:$0x3FB8];
	_ =	sdelay $0x3  }
0x33: {  	p0 =	seq.s32 s10, $0x1;
	s10 =	sld [smem:$0x3FBA];
	_ =	sdelay $0x3  }
0x34: {  	[smem:$0x3FBA] =	sst s10  }
0x35: {  	s10 =	sld [smem:$0x3FB9];
	_ =	sdelay $0x3  }
0x36: {  	p1 =	seq.s32 s10, $0x1;
	s10 =	sld [smem:$0x3FBA];
	_ =	sdelay $0x3  }
0x37: {  	[smem:$0x3FBA] =	sst s10  }
0x38: {  	s10 =	sld [smem:$0x3FBB]  }
0x39: {  	_ = 	snop;
	(pc) =	sbr.ind lr, $3  }
0x3a: {  	_ = 	snop  }
0x3b: {  	_ = 	snop  }
0x3c: {  	p2 =	seq.s32 s10, $0x1;
	s10 =	sld [smem:$0x3FBA]  }
0x3d: {  	_ =	shalt  }
0x3e: {  	_ =	shalt  }
0x3f: {  	_ =	shalt  }
0x40: {  	_ =	shalt  }
0x41: {  	_ =	shalt  }
0x42: {  	_ =	shalt  }
0x43: {  	_ =	shalt  }
0x44: {  	_ =	shalt  }
0x45: {  	_ =	shalt  }
0x46: {  	_ =	shalt  }
0x47: {  	_ =	shalt  }
0x48: {  	_ =	shalt  }
0x49: {  	_ =	shalt  }
0x4a: {  	_ =	shalt  }
0x4b: {  	_ =	shalt  }
0x4c: {  	_ =	shalt  }
0x4d: {  	_ =	shalt  }
0x4e: {  	_ =	shalt  }
0x4f: {  	_ =	shalt  }
0x50: {  	_ =	shalt  }
0x51: {  	_ =	shalt  }
0x52: {  	_ =	shalt  }
0x53: {  	_ =	shalt  }
0x54: {  	_ =	shalt  }
0x55: {  	_ =	shalt  }
0x56: {  	_ =	shalt  }
0x57: {  	_ =	shalt  }
0x58: {  	_ =	shalt  }
0x59: {  	_ =	shalt  }
0x5a: {  	_ =	shalt  }
0x5b: {  	_ =	shalt  }
0x5c: {  	_ =	shalt  }
0x5d: {  	_ =	shalt  }
0x5e: {  	_ =	shalt  }
0x5f: {  	_ =	shalt  }
0x60: {  	_ =	shalt  }
0x61: {  	_ =	shalt  }
0x62: {  	_ =	shalt  }
0x63: {  	_ =	shalt  }
0x64: {  	_ =	shalt  }
0x65: {  	_ =	shalt  }
0x66: {  	_ =	shalt  }
0x67: {  	_ =	shalt  }
0x68: {  	_ =	shalt  }
0x69: {  	_ =	shalt  }
0x6a: {  	_ =	shalt  }
0x6b: {  	_ =	shalt  }
0x6c: {  	_ =	shalt  }
0x6d: {  	_ =	shalt  }
0x6e: {  	_ =	shalt  }
0x6f: {  	_ =	shalt  }
0x70: {  	_ =	shalt  }
0x71: {  	_ =	shalt  }
0x72: {  	_ =	shalt  }
0x73: {  	_ =	shalt  }
0x74: {  	_ =	shalt  }
0x75: {  	_ =	shalt  }
0x76: {  	_ =	shalt  }
0x77: {  	_ =	shalt  }
0x78: {  	_ =	shalt  }
0x79: {  	_ =	shalt  }
0x7a: {  	_ =	shalt  }
0x7b: {  	_ =	shalt  }
0x7c: {  	_ =	shalt  }
0x7d: {  	_ =	shalt  }
0x7e: {  	_ =	shalt  }
0x7f: {  	_ =	shalt  }
0x80: {  	_ =	shalt  }
0x81: {  	_ =	shalt  }
0x82: {  	_ =	shalt  }
0x83: {  	_ =	shalt  }
0x84: {  	_ =	shalt  }
0x85: {  	_ =	shalt  }
0x86: {  	_ =	shalt  }
0x87: {  	_ =	shalt  }
.Lfunc_end0:
.L_simem_size_0:
called_computation_lowered:
.L_overlay_start_0:
0x88: {  	s2 =	sld [smem:$0x3FD9]  }
0x89: {  	s3 =	sld [smem:$0x3FFE];
	_ =	sdelay $0x1  }
0x8a: {  	s1 =	srdreg.scid  }
0x8b: {  	s0 =	sand.u32 $0x1, s1  }
0x8c: {  	s17 =	sshll.u32 s0, $0xA;
	s2 =	sadd.s32 s3, s2  }
0x8d: {  	s2 =	sadd.s32 s2, s17  }
0x8e: {  	[smem:$0x3FC6] =	sst s2  }
0x8f: {  	_ = 	snop  }
0x90: {  	s2 =	sld [smem:$0x3FD0];
	(tm) =	ssettm $0x1  }
0x91: {  	s18 =	sld [smem:$0x3FFB];
	_ =	sdelay $0x3  }
0x92: {  	_ =	strace s18  }
0x93: {  	s3 =	sld [smem:$0x3FFC];
	_ =	sdelay $0x3  }
0x94: {  	_ =	strace s3  }
0x95: {  	s3 =	sld [smem:$0x3FFD];
	_ =	sdelay $0x3  }
0x96: {  	_ =	strace s3  }
0x97: {  	_ =	strace $0x8FFFFFFF  }
0x98: {  	s19 =	sld [smem:$0x3FDB];
	_ =	sdelay $0x1  }
0x99: {  	s4 =	simm.s32 $_scs_section_size  }
0x9a: {  	s5 =	simm.s32 $_size__tile_overlayer_lowered;
	s6 =	simm.s32 $_tile_overlayer_lowered  }
0x9b: {  	s22 =	simm.s32 $0x1BFF;
	s21 =	sshll.u32 s6, $0x1;
	s3 =	sadd.s32 s4, s19  }
0x9c: {  	s7 =	simm.s32 $0x0;
	s20 =	sshll.u32 s5, $0x1;
	s5 =	sadd.s32 s21, s3  }
0x9d: {  	[timem:s7], [sflag:s22] =	dma.local [hbm:s5], s20  }
0x9e: {  	_ =	swait.ge [sflag:s22], s20  }
0x9f: {  	s4 =	ssub.s32 $0x0, s20;
	[sflag:s22] =	ssyncset.done $0x0  }
0xa0: {  	[sflag:s22] =	ssyncadd.s32 s4;
	_ =	sdelay $0x1  }
0xa1: {  	s23 =	simm.s32 $0x1B8B  }
0xa2: {  	_ =	swait.ge [sflag:s23], $0x1  }
0xa3: {  	[sflag:s23] =	ssyncset.done $0x0  }
0xa4: {  	s25 =	simm.s32 $0x1B8E;
	s24 =	sld [smem:$0x3FFE];
	[sflag:s23] =	ssyncadd.s32 $0xFFFFFFFF  }
0xa5: {  	s26 =	simm.s32 $execute0_lowered;
	[smem:$0x3FD2] =	sst s25  }
0xa6: {  	s5 =	sshll.u32 s26, $0x1;
	_ =	strace $0x80000046;
	[dreg:$0x1] =	wrdreg $0xFFFFFFFF  }
0xa7: {  	s28 =	simm.s32 $_size_execute0_lowered;
	s3 =	sadd.s32 s3, s5;
	[dreg:$0x0] =	wrdreg $0x0  }
0xa8: {  	s5 =	sshll.u32 s28, $0x1;
	[dreg:$0x2] =	wrdreg s3  }
0xa9: {  	[dreg:$0x3] =	wrdreg s5  }
0xaa: {  	[dreg:$0x4] =	wrdreg $0xC0  }
0xab: {  	_ =	task [dreg:s7], $0x5FFFF  }
0xac: {  	[dreg:$0x1] =	wrdreg $0xFFFFFFFF  }
0xad: {  	[dreg:$0x0] =	wrdreg $0x60  }
0xae: {  	[dreg:$0x2] =	wrdreg s2  }
0xaf: {  	[dreg:$0x3] =	wrdreg s24  }
0xb0: {  	[dreg:$0x4] =	wrdreg $0x9  }
0xb1: {  	_ =	task.clear_ibuf [dreg:s7], $0x5FFFF;
	_ =	strace $0x90000046  }
0xb2: {  	s29 =	simm.s32 $0x9;
	_ =	strace $0x80000048  }
0xb3: {  	_ =	swait.ge [sflag:s29], $0x1  }
0xb4: {  	[sflag:s29] =	ssyncadd.s32 $0xFFFFFFFF  }
0xb5: {  	_ =	strace $0x90000048  }
0xb6: {  	_ =	sfence  }
0xb7: {  	s30 =	sld [smem:$0x0];
	_ =	sdelay $0x2  }
0xb8: {  	s31 =	sshll.u32 s1, $0xD;
	s1 =	sshrl.u32 s1, $0x2  }
0xb9: {  	s3 =	sand.u32 $0x4000, s31;
	s1 =	sadd.s32 s1, s30  }
0xba: {  	s0 =	sor.u32 s3, s0;
	s1 =	sshll.u32 s1, $0x11  }
0xbb: {  	s0 =	sor.u32 s1, s0  }
0xbc: {  	s0 =	sadd.s32 $0x8F2B, s0  }
0xbd: {  	[sflag:s0] =	ssyncadd.remote.s32 $0x1  }
0xbe: {  	_ =	sfence.sel $0xFFFF  }
0xbf: {  	[dreg:$0x0] =	wrdreg $0xFFFFFFFF;
	(pc) =	sbr.abs _section_cstart, $3  }
0xc0: {  	[dreg:$0x1] =	wrdreg $0xFFFFFFFF  }
0xc1: {  	_ =	task.clear_ibuf [dreg:s7], $0x2FFFF;
	_ =	strace $0x9FFFFFFF  }
0xc2: {  	(tm) =	ssettm $0x7FFFFFFF  }
0xc3: {  	_ =	shalt  }
tec
execute0_lowered:
.L_overlay_start_1:
0x0: {  	(tag) =	ssettag $0x1  }
0x1: {  	s9 =	rddreg [dreg:$0x0];
	s0 =	stileid.u32  }
0x2: {  	s1 =	srdreg.scid;
	s14 =	smul.u32 $0x1900, s0  }
0x3: {  	s4 =	rddreg [dreg:$0x1];
	s29 =	smul.u32 $0x64, s0  }
0x4: {  	s2 =	simm.s32 $0x0;
	s10 =	sand.u32 $0x1, s1;
	s16 =	smul.u32 $0x190000, s0  }
0x5: {  	s18 =	simm.s32 $0x1;
	s19 =	simm.s32 $0x20;
	s15 =	smul.u32 $0xC80, s10  }
0x6: {  	s20 =	simm.s32 $0x80;
	s3 =	sshll.u32 s0, $0x1;
	s30 =	smul.u32 $0x32, s10  }
0x7: {  	[smem:$0x7FF] =	sst s2;
	s3 =	sor.u32 s10, s3;
	s17 =	smul.u32 $0xC8000, s10  }
0x8: {  	s21 =	simm.s32 $0x2;
	_ =	strace $0x80000047;
	s7 =	smul.u32 $0x32, s3  }
0x9: {  	s5 =	ssub.s32 $0x2, s10;
	s6 =	smul.u32 $0xC80, s3;
	s3 =	sadd.s32 $0x400, s4  }
0xa: {  	s4 =	sadd.s32 $0x3E0400, s4;
	s8 =	sshrl.u32 s5, $0x1;
	s14 =	sadd.s32 s14, s9  }
0xb: {  	s8 =	ssub.s32 s5, s8;
	s31 =	sadd.s32 s15, s14;
	s14 =	simm.s32 $0x5  }
0xc: {  	s15 =	simm.s32 $0x200;
	s22 =	sadd.s32 s9, s6;
	s11 =	sadd.s32 $0x30, s7  }
0xd: {  	s23 =	sadd.s32 $0x31, s7;
	s7 =	smax.u32 s8, $0x1;
	[dreg:$0x3] =	wrdreg s31  }
0xe: {  	s9 =	sadd.s32 s30, s29;
	[dreg:$0x4] =	wrdreg s22;
	s1 =	sadd.s32 $0x40, s22  }
0xf: {  	s12 =	sshll.u32 s11, $0xE;
	s13 =	sshll.u32 s11, $0x10;
	s11 =	sshll.u32 s11, $0x2  }
0x10: {  	s25 =	sshll.u32 s23, $0xE;
	s26 =	sshll.u32 s23, $0x10;
	s22 =	simm.s32 $0x3  }
0x11: {  	[dreg:$0x5] =	wrdreg s1;
	s12 =	sand.u32 $0x3F80000, s12;
	s13 =	sand.u32 $0x60000, s13  }
0x12: {  	s11 =	sand.u32 $0x60, s11;
	s12 =	sor.u32 s12, s13;
	s13 =	sshll.u32 s23, $0x2  }
0x13: {  	s24 =	sor.u32 s11, s12;
	s11 =	sand.u32 $0x3F80000, s25;
	s12 =	sand.u32 $0x70000, s26  }
0x14: {  	s23 =	simm.s32 $0x4;
	s28 =	sand.u32 $0x60, s13;
	s11 =	sor.u32 s12, s11  }
0x15: {  	s13 =	sor.u32 $0x1, s9;
	s8 =	sshrl.u32 s24, $0x3;
	s11 =	sor.u32 s28, s11  }
0x16: {  	s12 =	sshll.u32 s13, $0x2;
	s13 =	sshll.u32 s13, $0x10;
	s11 =	sshrl.u32 s11, $0x3  }
0x17: {  	s24 =	simm.s32 $0x0;
	s8 =	sadd.s32 s4, s8;
	s10 =	sadd.s32 s4, s11  }
0x18: {  	s11 =	sadd.s32 s17, s16;
	s16 =	simm.s32 $0x4200;
	s17 =	simm.s32 $0x4400  }
.LBB2_1:
0x19: {  	s0 =	rddreg [dreg:$0x4]  }
0x1a: {  	[tilespmem:s2], [sflag:$0x5] =	stream.linear.gather [hbm4b:s0+s2], $0x200, $0x38;
	[tilespmem:$0x8400] =	vst v63  }
0x1b: {  	_ =	swait.ge [sflag:s14], $0x200  }
0x1c: {  	[sflag:s14] =	ssyncset.done $0x0  }
0x1d: {  	[sflag:s14] =	ssyncadd.s32 $0xFFFFFE00  }
0x1e: {  	[tilespmem:s15], [sflag:$0x1] =	stream.indirect.gather [hbm4b:s3+s15], $0x20, s2, s15, $0xb8;
	[tilespmem:$0x8400] =	vst v63  }
0x1f: {  	s26 =	rddreg [dreg:$0x5]  }
0x20: {  	[tilespmem:s16], [sflag:$0x5] =	stream.linear.gather [hbm4b:s26+s2], $0x200, $0x38;
	[tilespmem:$0x8400] =	vst v63  }
0x21: {  	s25 =	sshll.u32 s9, $0x10;
	s28 =	sand.u32 $0x7FF80000, s11;
	_ =	swait.ge [sflag:s14], $0x200  }
0x22: {  	s25 =	sand.u32 $0x60000, s25;
	s26 =	sshll.u32 s9, $0x2;
	[sflag:s14] =	ssyncset.done $0x0  }
0x23: {  	s25 =	sor.u32 s28, s25;
	s26 =	sand.u32 $0x60, s26;
	[sflag:s14] =	ssyncadd.s32 $0xFFFFFE00  }
0x24: {  	[tilespmem:s17], [sflag:$0x3] =	stream.indirect.gather [hbm4b:s3+s15], $0x20, s16, s15, $0xb8;
	[tilespmem:$0x8400] =	vst v63  }
0x25: {  	s25 =	sor.u32 s26, s25;
	_ =	swait.ge [sflag:s18], $0x4000  }
0x26: {  	s25 =	sshrl.u32 s25, $0x3;
	[sflag:s18] =	ssyncset.done $0x0;
	s1 =	rddreg [dreg:$0x3]  }
0x27: {  	s25 =	sadd.s32 s4, s25;
	[sflag:s18] =	ssyncadd.s32 $0xFFFFC000;
	s5 =	sadd.s32 $0x0, s1  }
0x28: {  	[hbm4b:s25+s19] =	stream.strided.scatter [tilespmem:s15], [sflag:$0x2], $0x4000, s20, s19, $0x38;
	[tilespmem:$0x8400] =	vst v63  }
0x29: {  	s26 =	sadd.s32 $0x80, s5  }
0x2a: {  	[tilespmem:s2], [sflag:$0x5] =	stream.linear.gather [hbm4b:s26+s2], $0x200, $0x38;
	[tilespmem:$0x8400] =	vst v63  }
0x2b: {  	_ =	swait.ge [sflag:s14], $0x200  }
0x2c: {  	[sflag:s14] =	ssyncset.done $0x0  }
0x2d: {  	[sflag:s14] =	ssyncadd.s32 $0xFFFFFE00  }
0x2e: {  	s6 =	sadd.s32 $0x4000, s11;
	_ =	swait.ge [sflag:s21], $0x4000  }
0x2f: {  	s28 =	sand.u32 $0x70000, s13;
	s26 =	sand.u32 $0x7FF80000, s6;
	[sflag:s21] =	ssyncset.done $0x0  }
0x30: {  	s26 =	sor.u32 s28, s26;
	s28 =	sand.u32 $0x60, s12;
	[sflag:s21] =	ssyncadd.s32 $0xFFFFC000  }
0x31: {  	[tilespmem:s15], [sflag:$0x1] =	stream.indirect.gather [hbm4b:s3+s15], $0x20, s2, s15, $0xb8;
	[tilespmem:$0x8400] =	vst v63  }
0x32: {  	s26 =	sor.u32 s28, s26;
	_ =	swait.ge [sflag:s22], $0x4000  }
0x33: {  	s29 =	simm.s32 $0x80;
	s26 =	sshrl.u32 s26, $0x3;
	[sflag:s22] =	ssyncset.done $0x0  }
0x34: {  	s30 =	simm.s32 $0x100;
	s26 =	sadd.s32 s4, s26;
	[sflag:s22] =	ssyncadd.s32 $0xFFFFC000  }
0x35: {  	[hbm4b:s26+s19] =	stream.strided.scatter [tilespmem:s17], [sflag:$0x4], $0x4000, s20, s19, $0x38;
	[tilespmem:$0x8400] =	vst v63  }
0x36: {  	s31 =	sadd.s32 $0x2, s9;
	s25 =	sadd.s32 $0xC0, s5;
	s28 =	sadd.s32 $0x8000, s11  }
0x37: {  	[tilespmem:s16], [sflag:$0x5] =	stream.linear.gather [hbm4b:s25+s2], $0x200, $0x38;
	[tilespmem:$0x8400] =	vst v63  }
0x38: {  	s26 =	sadd.s32 $0x20000, s13;
	s25 =	sadd.s32 $0x8, s12;
	_ =	swait.ge [sflag:s14], $0x200  }
.LBB2_2:
0x39: {  	[sflag:s14] =	ssyncset.done $0x0  }
0x3a: {  	[sflag:s14] =	ssyncadd.s32 $0xFFFFFE00  }
0x3b: {  	s1 =	sshll.u32 s31, $0x10;
	s0 =	sshll.u32 s31, $0x2;
	_ =	swait.ge [sflag:s23], $0x4000  }
0x3c: {  	s5 =	sand.u32 $0x7FF80000, s28;
	s1 =	sand.u32 $0x60000, s1;
	[sflag:s23] =	ssyncset.done $0x0  }
0x3d: {  	s0 =	sand.u32 $0x60, s0;
	s1 =	sor.u32 s5, s1;
	[sflag:s23] =	ssyncadd.s32 $0xFFFFC000  }
0x3e: {  	[tilespmem:s17], [sflag:$0x3] =	stream.indirect.gather [hbm4b:s3+s15], $0x20, s16, s15, $0xb8;
	[tilespmem:$0x8400] =	vst v63  }
0x3f: {  	s0 =	sor.u32 s0, s1;
	_ =	swait.ge [sflag:s18], $0x4000  }
0x40: {  	s0 =	sshrl.u32 s0, $0x3;
	[sflag:s18] =	ssyncset.done $0x0  }
0x41: {  	s0 =	sadd.s32 s4, s0;
	s5 =	rddreg [dreg:$0x3];
	[sflag:s18] =	ssyncadd.s32 $0xFFFFC000  }
0x42: {  	[hbm4b:s0+s19] =	stream.strided.scatter [tilespmem:s15], [sflag:$0x2], $0x4000, s20, s19, $0x38;
	[tilespmem:$0x8400] =	vst v63  }
0x43: {  	s0 =	sadd.s32 s29, s5  }
0x44: {  	s1 =	sadd.s32 $0x80, s0  }
0x45: {  	[tilespmem:s2], [sflag:$0x5] =	stream.linear.gather [hbm4b:s1+s2], $0x200, $0x38;
	[tilespmem:$0x8400] =	vst v63  }
0x46: {  	_ =	swait.ge [sflag:s14], $0x200  }
0x47: {  	[sflag:s14] =	ssyncset.done $0x0  }
0x48: {  	s6 =	smov.u32 s30;
	[sflag:s14] =	ssyncadd.s32 $0xFFFFFE00  }
0x49: {  	s29 =	smov.u32 s6;
	s5 =	sadd.s32 $0x4000, s28;
	_ =	swait.ge [sflag:s21], $0x4000  }
0x4a: {  	s6 =	sand.u32 $0x70000, s26;
	s1 =	sand.u32 $0x7FF80000, s5;
	[sflag:s21] =	ssyncset.done $0x0  }
0x4b: {  	s1 =	sor.u32 s6, s1;
	s6 =	sand.u32 $0x60, s25;
	[sflag:s21] =	ssyncadd.s32 $0xFFFFC000  }
0x4c: {  	[tilespmem:s15], [sflag:$0x1] =	stream.indirect.gather [hbm4b:s3+s15], $0x20, s2, s15, $0xb8;
	[tilespmem:$0x8400] =	vst v63  }
0x4d: {  	p0 =	sne.s32 s30, $0xB80;
	s1 =	sor.u32 s6, s1;
	_ =	swait.ge [sflag:s22], $0x4000  }
0x4e: {  	s30 =	sadd.s32 $0x80, s30;
	s1 =	sshrl.u32 s1, $0x3;
	[sflag:s22] =	ssyncset.done $0x0  }
.Ltmp0:
0x4f: {  	s1 =	sadd.s32 s4, s1;
	[sflag:s22] =	ssyncadd.s32 $0xFFFFC000;
	(pc) =	sbr.rel @p0 .LBB2_2-.Ltmp0, $4  }
0x50: {  	[hbm4b:s1+s19] =	stream.strided.scatter [tilespmem:s17], [sflag:$0x4], $0x4000, s20, s19, $0x38;
	[tilespmem:$0x8400] =	vst v63  }
0x51: {  	s31 =	sadd.s32 $0x2, s31;
	s26 =	sadd.s32 $0x20000, s26;
	s0 =	sadd.s32 $0xC0, s0  }
0x52: {  	[tilespmem:s16], [sflag:$0x5] =	stream.linear.gather [hbm4b:s0+s2], $0x200, $0x38;
	[tilespmem:$0x8400] =	vst v63  }
0x53: {  	s28 =	sadd.s32 $0x8000, s28;
	s25 =	sadd.s32 $0x8, s25;
	_ =	swait.ge [sflag:s14], $0x200  }
0x54: {  	[sflag:s14] =	ssyncset.done $0x0  }
0x55: {  	[sflag:s14] =	ssyncadd.s32 $0xFFFFFE00  }
0x56: {  	s0 =	sshll.u32 s31, $0x10;
	s1 =	sshll.u32 s31, $0x2;
	_ =	swait.ge [sflag:s23], $0x4000  }
0x57: {  	s5 =	sand.u32 $0x7FF80000, s28;
	s0 =	sand.u32 $0x60000, s0;
	[sflag:s23] =	ssyncset.done $0x0  }
0x58: {  	s1 =	sand.u32 $0x60, s1;
	s0 =	sor.u32 s5, s0;
	[sflag:s23] =	ssyncadd.s32 $0xFFFFC000  }
0x59: {  	[tilespmem:s17], [sflag:$0x3] =	stream.indirect.gather [hbm4b:s3+s15], $0x20, s16, s15, $0xb8;
	[tilespmem:$0x8400] =	vst v63  }
0x5a: {  	s0 =	sor.u32 s1, s0;
	_ =	swait.ge [sflag:s18], $0x4000  }
0x5b: {  	s0 =	sshrl.u32 s0, $0x3;
	[sflag:s18] =	ssyncset.done $0x0;
	s5 =	rddreg [dreg:$0x3]  }
0x5c: {  	s0 =	sadd.s32 s4, s0;
	[sflag:s18] =	ssyncadd.s32 $0xFFFFC000;
	s6 =	sadd.s32 s29, s5  }
0x5d: {  	[hbm4b:s0+s19] =	stream.strided.scatter [tilespmem:s15], [sflag:$0x2], $0x4000, s20, s19, $0x38;
	[tilespmem:$0x8400] =	vst v63  }
0x5e: {  	s1 =	sadd.s32 $0x80, s6  }
0x5f: {  	[tilespmem:s2], [sflag:$0x5] =	stream.linear.gather [hbm4b:s1+s2], $0x200, $0x38;
	[tilespmem:$0x8400] =	vst v63  }
0x60: {  	_ =	swait.ge [sflag:s14], $0x200  }
0x61: {  	[sflag:s14] =	ssyncset.done $0x0  }
0x62: {  	[sflag:s14] =	ssyncadd.s32 $0xFFFFFE00  }
0x63: {  	s29 =	sadd.s32 $0x4000, s28;
	_ =	swait.ge [sflag:s21], $0x4000  }
0x64: {  	s30 =	sand.u32 $0x70000, s26;
	s1 =	sand.u32 $0x7FF80000, s29;
	[sflag:s21] =	ssyncset.done $0x0  }
0x65: {  	s31 =	sand.u32 $0x60, s25;
	s1 =	sor.u32 s30, s1;
	[sflag:s21] =	ssyncadd.s32 $0xFFFFC000  }
0x66: {  	[tilespmem:s15], [sflag:$0x1] =	stream.indirect.gather [hbm4b:s3+s15], $0x20, s2, s15, $0xb8;
	[tilespmem:$0x8400] =	vst v63  }
0x67: {  	s1 =	sor.u32 s31, s1;
	_ =	swait.ge [sflag:s22], $0x4000  }
0x68: {  	s1 =	sshrl.u32 s1, $0x3;
	[sflag:s22] =	ssyncset.done $0x0  }
0x69: {  	s1 =	sadd.s32 s4, s1;
	[sflag:s22] =	ssyncadd.s32 $0xFFFFC000  }
0x6a: {  	[hbm4b:s1+s19] =	stream.strided.scatter [tilespmem:s17], [sflag:$0x4], $0x4000, s20, s19, $0x38;
	[tilespmem:$0x8400] =	vst v63  }
0x6b: {  	s0 =	sadd.s32 $0xC0, s6  }
0x6c: {  	[tilespmem:s16], [sflag:$0x5] =	stream.linear.gather [hbm4b:s0+s2], $0x200, $0x38;
	[tilespmem:$0x8400] =	vst v63  }
0x6d: {  	_ =	swait.ge [sflag:s14], $0x200  }
0x6e: {  	[sflag:s14] =	ssyncset.done $0x0  }
0x6f: {  	[sflag:s14] =	ssyncadd.s32 $0xFFFFFE00  }
0x70: {  	_ =	swait.ge [sflag:s23], $0x4000  }
0x71: {  	[sflag:s23] =	ssyncset.done $0x0  }
0x72: {  	[sflag:s23] =	ssyncadd.s32 $0xFFFFC000  }
0x73: {  	[tilespmem:s17], [sflag:$0x3] =	stream.indirect.gather [hbm4b:s3+s15], $0x20, s16, s15, $0xb8;
	[tilespmem:$0x8400] =	vst v63  }
0x74: {  	_ =	swait.ge [sflag:s18], $0x4000  }
0x75: {  	[sflag:s18] =	ssyncset.done $0x0  }
0x76: {  	[sflag:s18] =	ssyncadd.s32 $0xFFFFC000  }
0x77: {  	[hbm4b:s8+s19] =	stream.strided.scatter [tilespmem:s15], [sflag:$0x2], $0x4000, s20, s19, $0x38;
	[tilespmem:$0x8400] =	vst v63  }
0x78: {  	_ =	swait.ge [sflag:s22], $0x4000  }
0x79: {  	[sflag:s22] =	ssyncset.done $0x0  }
0x7a: {  	s24 =	sadd.s32 $0x1, s24;
	[sflag:s22] =	ssyncadd.s32 $0xFFFFC000  }
0x7b: {  	[hbm4b:s10+s19] =	stream.strided.scatter [tilespmem:s17], [sflag:$0x4], $0x4000, s20, s19, $0x38;
	[tilespmem:$0x8400] =	vst v63  }
0x7c: {  	p0 =	sne.s32 s24, s7;
	_ =	swait.ge [sflag:s21], $0x4000  }
.Ltmp1:
0x7d: {  	[sflag:s21] =	ssyncset.done $0x0;
	(pc) =	sbr.rel @p0 .LBB2_1-.Ltmp1, $4  }
0x7e: {  	[sflag:s21] =	ssyncadd.s32 $0xFFFFC000  }
0x7f: {  	_ =	swait.ge [sflag:s23], $0x4000  }
0x80: {  	[sflag:s23] =	ssyncset.done $0x0  }
0x81: {  	[sflag:s23] =	ssyncadd.s32 $0xFFFFC000  }
0x82: {  	_ =	sfence.sel $0x180000  }
0x83: {  	[bflag:$0x0] =	sbarrier.arrive $0xFFFF  }
0x84: {  	_ =	strace $0x90000047  }
0x85: {  	s0 =	stileid.u32;
	[bflag:$0x2] =	sbarrier.arrive $0xFFFF  }
0x86: {  	p0 =	sne.s32 s0, $0x0;
	s0 =	rddreg [dreg:$0x2]  }
0x87: {  	s0 =	sadd.s32 @!p0 $0x100000, s0  }
0x88: {  	[sflag:s0] =	ssyncadd.tile.s32 @!p0 $0x1;
	_ =	shalt  }
.Lfunc_end2:
_tile_overlayer_lowered:
.L_overlay_start_2:
0x89: {  	(tag) =	ssettag $0x2  }
0x8a: {  	s0 =	rddreg [dreg:$0x0];
	s2 =	stileid.u32  }
0x8b: {  	s1 =	rddreg [dreg:$0x1];
	p0 =	sne.s32 s2, $0x0  }
0x8c: {  	s3 =	rddreg [dreg:$0x2];
	[bflag:$0x3] =	sbarrier.arrive $0xFFFF;
	s2 =	simm.s32 @!p0 $0x1C05  }
0x8d: {  	[timem:s3], [sflag:s2] =	dma.local @!p0 [hbm:s0], s1  }
0x8e: {  	s0 =	simm.s32 @!p0 $0x5  }
0x8f: {  	_ =	swait.ge @!p0 [sflag:s0], s1  }
0x90: {  	s1 =	ssub.s32 @!p0 $0x0, s1;
	[sflag:s0] =	ssyncset.done @!p0 $0x0  }
0x91: {  	[sflag:s0] =	ssyncadd.s32 @!p0 s1  }
0x92: {  	[bflag:$0x3] =	sbarrier.arrive $0xFFFF  }
0x93: {  	_ =	shalt  }

</sc_bundles>
